<compile_context>
chip_gen: v7x
topology: tpu7x:2x2x1
jax: 0.10.2.dev20260603
libtpu: 0.0.44.dev20260713+nightly
codegen_flags: <defaults>
</compile_context>

<pallas_src>
import jax
import jax.numpy as jnp
from jax import lax
from jax.experimental import pallas as pl
from jax.experimental.pallas import tpu as pltpu
from jax.experimental.pallas import tpu_sc as plsc

N_NODES = 10000
N_PAD = 10240
E = 320000
D = 128
NC, NS, L = 2, 16, 16
NW = NC * NS
CHUNK = 256
SUB = 128
KSUB = CHUNK // SUB
NCHUNKS = E // CHUNK
ROWS_PER_TILE = N_PAD // NS


def _pre_body(x_ref, mu_ref, W1_ref, W3_ref, W4a_ref, W4c_ref,
              x1_ref, mu1_ref, h_ref):
    x1 = jax.nn.relu(x_ref[...] * W1_ref[...])
    mu1 = jax.nn.relu(jnp.dot(mu_ref[...], W3_ref[...],
                              preferred_element_type=jnp.float32))
    h = (jnp.dot(x1, W4a_ref[...], preferred_element_type=jnp.float32)
         + jnp.dot(mu1, W4c_ref[...], preferred_element_type=jnp.float32))
    x1_ref[...] = x1
    mu1_ref[...] = mu1
    h_ref[...] = h


def _pre_tc(x, mu, W1, W3, W4a, W4c):
    B = 2000
    grid = (N_NODES // B,)
    return pl.pallas_call(
        _pre_body,
        grid=grid,
        in_specs=[
            pl.BlockSpec((B, 1), lambda i: (i, 0)),
            pl.BlockSpec((B, D), lambda i: (i, 0)),
            pl.BlockSpec((1, D), lambda i: (0, 0)),
            pl.BlockSpec((D, D), lambda i: (0, 0)),
            pl.BlockSpec((D, D), lambda i: (0, 0)),
            pl.BlockSpec((D, D), lambda i: (0, 0)),
        ],
        out_specs=[
            pl.BlockSpec((B, D), lambda i: (i, 0)),
            pl.BlockSpec((B, D), lambda i: (i, 0)),
            pl.BlockSpec((B, D), lambda i: (i, 0)),
        ],
        out_shape=[jax.ShapeDtypeStruct((N_NODES, D), jnp.float32)] * 3,
    )(x, mu, W1, W3, W4a, W4c)


def _sc_body(h_hbm, dst_hbm, src_hbm, ew_hbm, zrow_hbm, zw_hbm,
             s0_hbm, s1_hbm, w0_hbm, w1_hbm,
             S_sp, SW_sp, rows_v, dst_v, src_v, ew_v, sem):
    cid_c = lax.axis_index("c")
    sid = lax.axis_index("s")
    wid = sid * NC + cid_c

    rsl = pl.ds(sid * ROWS_PER_TILE, ROWS_PER_TILE)
    pltpu.sync_copy(zrow_hbm.at[rsl], S_sp.at[rsl])

    @pl.when(sid == 0)
    def _():
        pltpu.sync_copy(zw_hbm, SW_sp)

    plsc.subcore_barrier()

    def chunk_body(i, _):
        cid = wid + i * NW

        @pl.when(cid < NCHUNKS)
        def _():
            pltpu.sync_copy(dst_hbm.at[cid], dst_v)
            pltpu.sync_copy(src_hbm.at[cid], src_v)
            pltpu.sync_copy(ew_hbm.at[cid], ew_v)
            cps = []
            for j in range(KSUB):
                cps.append(pltpu.async_copy(
                    h_hbm.at[dst_v.at[j]],
                    rows_v.at[pl.ds(j * SUB, SUB)], sem))
            for cp in cps:
                cp.wait()
            for j in range(KSUB):
                pltpu.sync_copy(rows_v.at[pl.ds(j * SUB, SUB)],
                                S_sp.at[src_v.at[j]], add=True)
                pltpu.sync_copy(ew_v.at[j],
                                SW_sp.at[src_v.at[j]], add=True)
        return 0

    lax.fori_loop(0, (NCHUNKS + NW - 1) // NW, chunk_body, 0)
    plsc.subcore_barrier()

    @pl.when(cid_c == 0)
    def _():
        pltpu.sync_copy(S_sp.at[rsl], s0_hbm.at[rsl])

        @pl.when(sid == 0)
        def _():
            pltpu.sync_copy(SW_sp, w0_hbm)

    @pl.when(cid_c == 1)
    def _():
        pltpu.sync_copy(S_sp.at[rsl], s1_hbm.at[rsl])

        @pl.when(sid == 0)
        def _():
            pltpu.sync_copy(SW_sp, w1_hbm)


def _sc_scatter(h, dst2, src2, ew2, zrow, zw):
    mesh = plsc.VectorSubcoreMesh(core_axis_name="c", subcore_axis_name="s")
    f32 = jnp.float32
    out_type = [
        jax.ShapeDtypeStruct((N_PAD, D), f32),
        jax.ShapeDtypeStruct((N_PAD, D), f32),
        jax.ShapeDtypeStruct((N_PAD,), f32),
        jax.ShapeDtypeStruct((N_PAD,), f32),
    ]
    scratch = [
        pltpu.VMEM_SHARED((N_PAD, D), f32),
        pltpu.VMEM_SHARED((N_PAD,), f32),
        pltpu.VMEM((CHUNK, D), f32),
        pltpu.VMEM((KSUB, SUB), jnp.int32),
        pltpu.VMEM((KSUB, SUB), jnp.int32),
        pltpu.VMEM((KSUB, SUB), f32),
        pltpu.SemaphoreType.DMA,
    ]
    fn = pl.kernel(_sc_body, out_type=out_type, mesh=mesh,
                   scratch_types=scratch)
    return fn(h, dst2, src2, ew2, zrow, zw)


def _post_body(x1_ref, mu1_ref, S0_ref, S1_ref, sw0_ref, sw1_ref,
               W2_ref, W4b_ref, out_ref):
    v = jnp.dot(jax.nn.relu(W2_ref[...]), W4b_ref[...],
                preferred_element_type=jnp.float32)
    pre = S0_ref[...] + S1_ref[...] + (sw0_ref[...] + sw1_ref[...]) * v
    out_ref[...] = jax.nn.relu(x1_ref[...] + mu1_ref[...] + jax.nn.relu(pre))


def _post_tc(x1, mu1, S0, S1, sw0, sw1, W2, W4b):
    B = 2000
    grid = (N_NODES // B,)
    return pl.pallas_call(
        _post_body,
        grid=grid,
        in_specs=[
            pl.BlockSpec((B, D), lambda i: (i, 0)),
            pl.BlockSpec((B, D), lambda i: (i, 0)),
            pl.BlockSpec((B, D), lambda i: (i, 0)),
            pl.BlockSpec((B, D), lambda i: (i, 0)),
            pl.BlockSpec((B, 1), lambda i: (i, 0)),
            pl.BlockSpec((B, 1), lambda i: (i, 0)),
            pl.BlockSpec((1, D), lambda i: (0, 0)),
            pl.BlockSpec((D, D), lambda i: (0, 0)),
        ],
        out_specs=pl.BlockSpec((B, D), lambda i: (i, 0)),
        out_shape=jax.ShapeDtypeStruct((N_NODES, D), jnp.float32),
    )(x1, mu1, S0, S1, sw0, sw1, W2, W4b)


def kernel(mu, x, edge_index, edge_w, W1, W2, W3, W4):
    src = edge_index[0].astype(jnp.int32).reshape(NCHUNKS, KSUB, SUB)
    dst = edge_index[1].astype(jnp.int32).reshape(NCHUNKS, KSUB, SUB)
    ew2 = edge_w.astype(jnp.float32).reshape(NCHUNKS, KSUB, SUB)
    W4a, W4b, W4c = W4[:D], W4[D:2 * D], W4[2 * D:]

    x1, mu1, h = _pre_tc(x, mu, W1, W3, W4a, W4c)
    zrow = jnp.zeros((N_PAD, D), jnp.float32)
    zw = jnp.zeros((N_PAD,), jnp.float32)
    S0, S1, SW0, SW1 = _sc_scatter(h, dst, src, ew2, zrow, zw)
    out = _post_tc(x1, mu1, S0[:N_NODES], S1[:N_NODES],
                   SW0[:N_NODES, None], SW1[:N_NODES, None], W2, W4b)
    return out

# --- scband reference (transcript-rebuilt; emitter-appended) ---
"""Pipeline reference for scband-s2-v-57595511439900 (READ-ONLY COPY).

The authoritative reference and input builder live on the scoring server;
editing this copy changes nothing except your own understanding.
"""

import jax, jax.numpy as jnp
import numpy as np

IN_DIM = 128
OUT_DIM = 128
N_NODES = 10000
N_EDGES = 320000


def setup_inputs(seed: int = 0) -> dict:
    key = jax.random.key(seed)
    k_mu, k_x, k_ei, k_ew, k1, k2, k3, k4 = jax.random.split(key, 8)
    mu = jax.random.normal(k_mu, (N_NODES, IN_DIM), dtype=jnp.float32)
    x = jax.random.normal(k_x, (N_NODES, 1), dtype=jnp.float32)
    edge_index = jax.random.randint(k_ei, (2, N_EDGES), 0, N_NODES, dtype=jnp.int64)
    edge_w = jax.random.uniform(k_ew, (N_EDGES,), dtype=jnp.float32)
    # Linear(in, out, bias=False) weights stored as [in, out] so y = x @ W
    W1 = jax.random.normal(k1, (1, OUT_DIM), dtype=jnp.float32) * 0.1
    W2 = jax.random.normal(k2, (1, OUT_DIM), dtype=jnp.float32) * 0.1
    W3 = jax.random.normal(k3, (IN_DIM, OUT_DIM), dtype=jnp.float32) * 0.1
    W4 = jax.random.normal(k4, (3 * OUT_DIM, OUT_DIM), dtype=jnp.float32) * 0.1
    return {"mu": mu, "x": x, "edge_index": edge_index, "edge_w": edge_w,
            "W1": W1, "W2": W2, "W3": W3, "W4": W4}


def reference(mu, x, edge_index, edge_w, W1, W2, W3, W4):
    n_nodes = mu.shape[0]
    x1 = jax.nn.relu(x @ W1)                      # [N, out_dim]
    _x = x1[edge_index[1, :]]                     # gather by dst -> [E, out_dim]
    ew = jax.nn.relu(edge_w[:, None] @ W2)        # [E, out_dim]
    mu1 = jax.nn.relu(mu @ W3)                    # [N, out_dim]
    _mu = mu1[edge_index[1, :], :]                # [E, out_dim]
    cat_feat = jnp.concatenate((_x, ew, _mu), axis=1)  # [E, 3*out_dim]
    cat_feat_agg = jax.ops.segment_sum(cat_feat, edge_index[0, :], num_segments=n_nodes)
    cat_feat_agg = jax.nn.relu(cat_feat_agg @ W4)
    return jax.nn.relu(x1 + mu1 + cat_feat_agg)

if __name__ == "__main__":
    import jax
    _d = setup_inputs()
    print(jax.jit(kernel)(*tuple(_d.values())))

</pallas_src>

<mosaic_0001>
#map = affine_map<(d0, d1) -> (0, 0)>
#map1 = affine_map<(d0, d1) -> (0, 0, 0)>
#map2 = affine_map<(d0, d1) -> (0)>
module attributes {stable_mosaic.version = 14 : i64} {
  func.func @_sc_body(%arg0: i32, %arg1: i32, %arg2: memref<10000x128xf32, #tpu.memory_space<hbm>>, %arg3: memref<1250x2x128xi32, #tpu.memory_space<hbm>>, %arg4: memref<1250x2x128xi32, #tpu.memory_space<hbm>>, %arg5: memref<1250x2x128xf32, #tpu.memory_space<hbm>>, %arg6: memref<10240x128xf32, #tpu.memory_space<hbm>>, %arg7: memref<10240xf32, #tpu.memory_space<hbm>>, %arg8: memref<10240x128xf32, #tpu.memory_space<hbm>>, %arg9: memref<10240x128xf32, #tpu.memory_space<hbm>>, %arg10: memref<10240xf32, #tpu.memory_space<hbm>>, %arg11: memref<10240xf32, #tpu.memory_space<hbm>>, %arg12: memref<10240x128xf32, #tpu.memory_space<vmem_shared>>, %arg13: memref<10240xf32, #tpu.memory_space<vmem_shared>>, %arg14: memref<256x128xf32, #tpu.memory_space<vmem>>, %arg15: memref<2x128xi32, #tpu.memory_space<vmem>>, %arg16: memref<2x128xi32, #tpu.memory_space<vmem>>, %arg17: memref<2x128xf32, #tpu.memory_space<vmem>>, %arg18: memref<!tpu.dma_semaphore, #tpu.memory_space<semaphore_mem>>) attributes {dimension_semantics = [#tpu.dimension_semantics<core_parallel>, #tpu.dimension_semantics<subcore_parallel>], iteration_bounds = array<i64: 2, 16>, scalar_prefetch = 0 : i64, scratch_operands = 7 : i64, tpu.core_type = #tpu.core_type<sc_vector_subcore>, window_params = [{transform_indices = #map}, {transform_indices = #map1}, {transform_indices = #map1}, {transform_indices = #map1}, {transform_indices = #map}, {transform_indices = #map2}, {transform_indices = #map}, {transform_indices = #map}, {transform_indices = #map2}, {transform_indices = #map2}]} {
    %mul3A = arith.constant 2 : i32
    %mul3A_0 = arith.muli %arg1, %mul3A : i32
    %add3A = arith.addi %mul3A_0, %arg0 : i32
    %mul3A_1 = arith.constant 640 : i32
    %mul3A_2 = arith.muli %arg1, %mul3A_1 : i32
    "tpu.region"() ({
      %run_scoped3A = tpu.sem_alloc : memref<!tpu.dma_semaphore, #tpu.memory_space<semaphore_mem>>
      %dma_start3A = arith.constant 0 : i32
      %dma_start3A_22 = tpu.memref_slice %arg12[%mul3A_2, %dma_start3A] : memref<10240x128xf32, #tpu.memory_space<vmem_shared>> -> memref<640x128xf32, #tpu.memory_space<vmem_shared>>
      %dma_start3A_23 = arith.constant 0 : i32
      %dma_start3A_24 = tpu.memref_slice %arg6[%mul3A_2, %dma_start3A_23] : memref<10240x128xf32, #tpu.memory_space<hbm>> -> memref<640x128xf32, #tpu.memory_space<hbm>>
      tpu.enqueue_dma source(%dma_start3A_24 : memref<640x128xf32, #tpu.memory_space<hbm>>) target(%dma_start3A_22 : memref<640x128xf32, #tpu.memory_space<vmem_shared>>) target_semaphore(%run_scoped3A : memref<!tpu.dma_semaphore, #tpu.memory_space<semaphore_mem>>)
      %dma_wait3A = arith.constant 0 : i32
      %dma_wait3A_25 = tpu.memref_slice %arg12[%mul3A_2, %dma_wait3A] : memref<10240x128xf32, #tpu.memory_space<vmem_shared>> -> memref<640x128xf32, #tpu.memory_space<vmem_shared>>
      %dma_wait3A_26 = arith.constant 0 : i32
      %dma_wait3A_27 = tpu.memref_slice %arg6[%mul3A_2, %dma_wait3A_26] : memref<10240x128xf32, #tpu.memory_space<hbm>> -> memref<640x128xf32, #tpu.memory_space<hbm>>
      tpu.wait_dma2 semaphore(%run_scoped3A : memref<!tpu.dma_semaphore, #tpu.memory_space<semaphore_mem>>) src(%dma_wait3A_27 : memref<640x128xf32, #tpu.memory_space<hbm>>) dst(%dma_wait3A_25 : memref<640x128xf32, #tpu.memory_space<vmem_shared>>)
      tpu.yield
    }) : () -> ()
    %eq3A = arith.constant 0 : i32
    %eq3A_3 = arith.cmpi eq, %arg1, %eq3A : i32
    %convert_element_type3A = arith.extui %eq3A_3 : i1 to i32
    %cond3A = arith.constant 0 : i32
    %cond3A_4 = arith.cmpi ne, %convert_element_type3A, %cond3A : i32
    scf.if %cond3A_4 {
      "tpu.region"() ({
        %run_scoped3A = tpu.sem_alloc : memref<!tpu.dma_semaphore, #tpu.memory_space<semaphore_mem>>
        tpu.enqueue_dma source(%arg7 : memref<10240xf32, #tpu.memory_space<hbm>>) target(%arg13 : memref<10240xf32, #tpu.memory_space<vmem_shared>>) target_semaphore(%run_scoped3A : memref<!tpu.dma_semaphore, #tpu.memory_space<semaphore_mem>>)
        tpu.wait_dma2 semaphore(%run_scoped3A : memref<!tpu.dma_semaphore, #tpu.memory_space<semaphore_mem>>) src(%arg7 : memref<10240xf32, #tpu.memory_space<hbm>>) dst(%arg13 : memref<10240xf32, #tpu.memory_space<vmem_shared>>)
        tpu.yield
      }) : () -> ()
    } else {
    }
    %barrier3A = arith.constant 0 : index
    tpu.barrier barrier_id(%barrier3A)
    %scan3A = arith.constant 0 : i32
    %scan3A_5 = arith.constant 0 : i32
    %scan3A_6 = arith.constant 40 : i32
    %scan3A_7 = arith.addi %scan3A_5, %scan3A_6 : i32
    %scan3A_8 = arith.constant 1 : i32
    %scan3A_9 = scf.for %scan3A_22 = %scan3A_5 to %scan3A_7 step %scan3A_8 iter_args(%scan3A_23 = %scan3A) -> (i32)  : i32 {
      %mul3A_24 = arith.constant 32 : i32
      %mul3A_25 = arith.muli %scan3A_22, %mul3A_24 : i32
      %add3A_26 = arith.addi %add3A, %mul3A_25 : i32
      %lt3A = arith.constant 1250 : i32
      %lt3A_27 = arith.cmpi slt, %add3A_26, %lt3A : i32
      %convert_element_type3A_28 = arith.extui %lt3A_27 : i1 to i32
      %cond3A_29 = arith.constant 0 : i32
      %cond3A_30 = arith.cmpi ne, %convert_element_type3A_28, %cond3A_29 : i32
      scf.if %cond3A_30 {
        "tpu.region"() ({
          %run_scoped3A_75 = tpu.sem_alloc : memref<!tpu.dma_semaphore, #tpu.memory_space<semaphore_mem>>
          %dma_start3A_76 = arith.constant 0 : i32
          %dma_start3A_77 = arith.constant 0 : i32
          %dma_start3A_78 = tpu.memref_slice %arg3[%add3A_26, %dma_start3A_76, %dma_start3A_77] : memref<1250x2x128xi32, #tpu.memory_space<hbm>> -> memref<1x2x128xi32, #tpu.memory_space<hbm>>
          %dma_start3A_79 = tpu.memref_squeeze %dma_start3A_78 : memref<1x2x128xi32, #tpu.memory_space<hbm>> -> memref<2x128xi32, #tpu.memory_space<hbm>>
          %dma_start3A_80 = arith.constant 0 : i32
          %dma_start3A_81 = arith.constant 0 : i32
          %dma_start3A_82 = tpu.memref_slice %arg3[%add3A_26, %dma_start3A_80, %dma_start3A_81] : memref<1250x2x128xi32, #tpu.memory_space<hbm>> -> memref<1x2x128xi32, #tpu.memory_space<hbm>>
          %dma_start3A_83 = tpu.memref_squeeze %dma_start3A_82 : memref<1x2x128xi32, #tpu.memory_space<hbm>> -> memref<2x128xi32, #tpu.memory_space<hbm>>
          tpu.enqueue_dma source(%dma_start3A_83 : memref<2x128xi32, #tpu.memory_space<hbm>>) target(%arg15 : memref<2x128xi32, #tpu.memory_space<vmem>>) target_semaphore(%run_scoped3A_75 : memref<!tpu.dma_semaphore, #tpu.memory_space<semaphore_mem>>)
          %dma_wait3A_84 = arith.constant 0 : i32
          %dma_wait3A_85 = arith.constant 0 : i32
          %dma_wait3A_86 = tpu.memref_slice %arg3[%add3A_26, %dma_wait3A_84, %dma_wait3A_85] : memref<1250x2x128xi32, #tpu.memory_space<hbm>> -> memref<1x2x128xi32, #tpu.memory_space<hbm>>
          %dma_wait3A_87 = tpu.memref_squeeze %dma_wait3A_86 : memref<1x2x128xi32, #tpu.memory_space<hbm>> -> memref<2x128xi32, #tpu.memory_space<hbm>>
          %dma_wait3A_88 = arith.constant 0 : i32
          %dma_wait3A_89 = arith.constant 0 : i32
          %dma_wait3A_90 = tpu.memref_slice %arg3[%add3A_26, %dma_wait3A_88, %dma_wait3A_89] : memref<1250x2x128xi32, #tpu.memory_space<hbm>> -> memref<1x2x128xi32, #tpu.memory_space<hbm>>
          %dma_wait3A_91 = tpu.memref_squeeze %dma_wait3A_90 : memref<1x2x128xi32, #tpu.memory_space<hbm>> -> memref<2x128xi32, #tpu.memory_space<hbm>>
          tpu.wait_dma2 semaphore(%run_scoped3A_75 : memref<!tpu.dma_semaphore, #tpu.memory_space<semaphore_mem>>) src(%dma_wait3A_91 : memref<2x128xi32, #tpu.memory_space<hbm>>) dst(%arg15 : memref<2x128xi32, #tpu.memory_space<vmem>>)
          tpu.yield
        }) : () -> ()
        "tpu.region"() ({
          %run_scoped3A_75 = tpu.sem_alloc : memref<!tpu.dma_semaphore, #tpu.memory_space<semaphore_mem>>
          %dma_start3A_76 = arith.constant 0 : i32
          %dma_start3A_77 = arith.constant 0 : i32
          %dma_start3A_78 = tpu.memref_slice %arg4[%add3A_26, %dma_start3A_76, %dma_start3A_77] : memref<1250x2x128xi32, #tpu.memory_space<hbm>> -> memref<1x2x128xi32, #tpu.memory_space<hbm>>
          %dma_start3A_79 = tpu.memref_squeeze %dma_start3A_78 : memref<1x2x128xi32, #tpu.memory_space<hbm>> -> memref<2x128xi32, #tpu.memory_space<hbm>>
          %dma_start3A_80 = arith.constant 0 : i32
          %dma_start3A_81 = arith.constant 0 : i32
          %dma_start3A_82 = tpu.memref_slice %arg4[%add3A_26, %dma_start3A_80, %dma_start3A_81] : memref<1250x2x128xi32, #tpu.memory_space<hbm>> -> memref<1x2x128xi32, #tpu.memory_space<hbm>>
          %dma_start3A_83 = tpu.memref_squeeze %dma_start3A_82 : memref<1x2x128xi32, #tpu.memory_space<hbm>> -> memref<2x128xi32, #tpu.memory_space<hbm>>
          tpu.enqueue_dma source(%dma_start3A_83 : memref<2x128xi32, #tpu.memory_space<hbm>>) target(%arg16 : memref<2x128xi32, #tpu.memory_space<vmem>>) target_semaphore(%run_scoped3A_75 : memref<!tpu.dma_semaphore, #tpu.memory_space<semaphore_mem>>)
          %dma_wait3A_84 = arith.constant 0 : i32
          %dma_wait3A_85 = arith.constant 0 : i32
          %dma_wait3A_86 = tpu.memref_slice %arg4[%add3A_26, %dma_wait3A_84, %dma_wait3A_85] : memref<1250x2x128xi32, #tpu.memory_space<hbm>> -> memref<1x2x128xi32, #tpu.memory_space<hbm>>
          %dma_wait3A_87 = tpu.memref_squeeze %dma_wait3A_86 : memref<1x2x128xi32, #tpu.memory_space<hbm>> -> memref<2x128xi32, #tpu.memory_space<hbm>>
          %dma_wait3A_88 = arith.constant 0 : i32
          %dma_wait3A_89 = arith.constant 0 : i32
          %dma_wait3A_90 = tpu.memref_slice %arg4[%add3A_26, %dma_wait3A_88, %dma_wait3A_89] : memref<1250x2x128xi32, #tpu.memory_space<hbm>> -> memref<1x2x128xi32, #tpu.memory_space<hbm>>
          %dma_wait3A_91 = tpu.memref_squeeze %dma_wait3A_90 : memref<1x2x128xi32, #tpu.memory_space<hbm>> -> memref<2x128xi32, #tpu.memory_space<hbm>>
          tpu.wait_dma2 semaphore(%run_scoped3A_75 : memref<!tpu.dma_semaphore, #tpu.memory_space<semaphore_mem>>) src(%dma_wait3A_91 : memref<2x128xi32, #tpu.memory_space<hbm>>) dst(%arg16 : memref<2x128xi32, #tpu.memory_space<vmem>>)
          tpu.yield
        }) : () -> ()
        "tpu.region"() ({
          %run_scoped3A_75 = tpu.sem_alloc : memref<!tpu.dma_semaphore, #tpu.memory_space<semaphore_mem>>
          %dma_start3A_76 = arith.constant 0 : i32
          %dma_start3A_77 = arith.constant 0 : i32
          %dma_start3A_78 = tpu.memref_slice %arg5[%add3A_26, %dma_start3A_76, %dma_start3A_77] : memref<1250x2x128xf32, #tpu.memory_space<hbm>> -> memref<1x2x128xf32, #tpu.memory_space<hbm>>
          %dma_start3A_79 = tpu.memref_squeeze %dma_start3A_78 : memref<1x2x128xf32, #tpu.memory_space<hbm>> -> memref<2x128xf32, #tpu.memory_space<hbm>>
          %dma_start3A_80 = arith.constant 0 : i32
          %dma_start3A_81 = arith.constant 0 : i32
          %dma_start3A_82 = tpu.memref_slice %arg5[%add3A_26, %dma_start3A_80, %dma_start3A_81] : memref<1250x2x128xf32, #tpu.memory_space<hbm>> -> memref<1x2x128xf32, #tpu.memory_space<hbm>>
          %dma_start3A_83 = tpu.memref_squeeze %dma_start3A_82 : memref<1x2x128xf32, #tpu.memory_space<hbm>> -> memref<2x128xf32, #tpu.memory_space<hbm>>
          tpu.enqueue_dma source(%dma_start3A_83 : memref<2x128xf32, #tpu.memory_space<hbm>>) target(%arg17 : memref<2x128xf32, #tpu.memory_space<vmem>>) target_semaphore(%run_scoped3A_75 : memref<!tpu.dma_semaphore, #tpu.memory_space<semaphore_mem>>)
          %dma_wait3A_84 = arith.constant 0 : i32
          %dma_wait3A_85 = arith.constant 0 : i32
          %dma_wait3A_86 = tpu.memref_slice %arg5[%add3A_26, %dma_wait3A_84, %dma_wait3A_85] : memref<1250x2x128xf32, #tpu.memory_space<hbm>> -> memref<1x2x128xf32, #tpu.memory_space<hbm>>
          %dma_wait3A_87 = tpu.memref_squeeze %dma_wait3A_86 : memref<1x2x128xf32, #tpu.memory_space<hbm>> -> memref<2x128xf32, #tpu.memory_space<hbm>>
          %dma_wait3A_88 = arith.constant 0 : i32
          %dma_wait3A_89 = arith.constant 0 : i32
          %dma_wait3A_90 = tpu.memref_slice %arg5[%add3A_26, %dma_wait3A_88, %dma_wait3A_89] : memref<1250x2x128xf32, #tpu.memory_space<hbm>> -> memref<1x2x128xf32, #tpu.memory_space<hbm>>
          %dma_wait3A_91 = tpu.memref_squeeze %dma_wait3A_90 : memref<1x2x128xf32, #tpu.memory_space<hbm>> -> memref<2x128xf32, #tpu.memory_space<hbm>>
          tpu.wait_dma2 semaphore(%run_scoped3A_75 : memref<!tpu.dma_semaphore, #tpu.memory_space<semaphore_mem>>) src(%dma_wait3A_91 : memref<2x128xf32, #tpu.memory_space<hbm>>) dst(%arg17 : memref<2x128xf32, #tpu.memory_space<vmem>>)
          tpu.yield
        }) : () -> ()
        %dma_start3A = arith.constant 0 : i32
        %dma_start3A_32 = arith.constant 0 : i32
        %dma_start3A_33 = arith.constant 0 : i32
        %dma_start3A_34 = tpu.memref_slice %arg14[%dma_start3A_32, %dma_start3A_33] : memref<256x128xf32, #tpu.memory_space<vmem>> -> memref<128x128xf32, #tpu.memory_space<vmem>>
        %dma_start3A_35 = arith.constant 0 : i32
        %dma_start3A_36 = tpu.memref_slice %arg15[%dma_start3A, %dma_start3A_35] : memref<2x128xi32, #tpu.memory_space<vmem>> -> memref<1x128xi32, #tpu.memory_space<vmem>>
        %dma_start3A_37 = tpu.memref_squeeze %dma_start3A_36 : memref<1x128xi32, #tpu.memory_space<vmem>> -> memref<128xi32, #tpu.memory_space<vmem>>
        %dma_start3A_38 = arith.constant 0 : i32
        %dma_start3A_39 = arith.constant 0 : i32
        %dma_start3A_40 = tpu.memref_slice %arg2[%dma_start3A_38, %dma_start3A_39] : memref<10000x128xf32, #tpu.memory_space<hbm>> -> memref<10000x128xf32, #tpu.memory_space<hbm>>
        tpu.enqueue_indirect_dma source(%dma_start3A_40 : memref<10000x128xf32, #tpu.memory_space<hbm>>) target(%dma_start3A_34 : memref<128x128xf32, #tpu.memory_space<vmem>>) offsets(%dma_start3A_37 : memref<128xi32, #tpu.memory_space<vmem>>) semaphore(%arg18 : memref<!tpu.dma_semaphore, #tpu.memory_space<semaphore_mem>>)
        %dma_start3A_41 = arith.constant 1 : i32
        %dma_start3A_42 = arith.constant 128 : i32
        %dma_start3A_43 = arith.constant 0 : i32
        %dma_start3A_44 = tpu.memref_slice %arg14[%dma_start3A_42, %dma_start3A_43] : memref<256x128xf32, #tpu.memory_space<vmem>> -> memref<128x128xf32, #tpu.memory_space<vmem>>
        %dma_start3A_45 = arith.constant 0 : i32
        %dma_start3A_46 = tpu.memref_slice %arg15[%dma_start3A_41, %dma_start3A_45] : memref<2x128xi32, #tpu.memory_space<vmem>> -> memref<1x128xi32, #tpu.memory_space<vmem>>
        %dma_start3A_47 = tpu.memref_squeeze %dma_start3A_46 : memref<1x128xi32, #tpu.memory_space<vmem>> -> memref<128xi32, #tpu.memory_space<vmem>>
        %dma_start3A_48 = arith.constant 0 : i32
        %dma_start3A_49 = arith.constant 0 : i32
        %dma_start3A_50 = tpu.memref_slice %arg2[%dma_start3A_48, %dma_start3A_49] : memref<10000x128xf32, #tpu.memory_space<hbm>> -> memref<10000x128xf32, #tpu.memory_space<hbm>>
        tpu.enqueue_indirect_dma source(%dma_start3A_50 : memref<10000x128xf32, #tpu.memory_space<hbm>>) target(%dma_start3A_44 : memref<128x128xf32, #tpu.memory_space<vmem>>) offsets(%dma_start3A_47 : memref<128xi32, #tpu.memory_space<vmem>>) semaphore(%arg18 : memref<!tpu.dma_semaphore, #tpu.memory_space<semaphore_mem>>)
        %dma_wait3A = arith.constant 0 : i32
        %dma_wait3A_51 = arith.constant 0 : i32
        %dma_wait3A_52 = arith.constant 0 : i32
        %dma_wait3A_53 = tpu.memref_slice %arg14[%dma_wait3A_51, %dma_wait3A_52] : memref<256x128xf32, #tpu.memory_space<vmem>> -> memref<128x128xf32, #tpu.memory_space<vmem>>
        %dma_wait3A_54 = arith.constant 0 : i32
        %dma_wait3A_55 = tpu.memref_slice %arg15[%dma_wait3A, %dma_wait3A_54] : memref<2x128xi32, #tpu.memory_space<vmem>> -> memref<1x128xi32, #tpu.memory_space<vmem>>
        %dma_wait3A_56 = tpu.memref_squeeze %dma_wait3A_55 : memref<1x128xi32, #tpu.memory_space<vmem>> -> memref<128xi32, #tpu.memory_space<vmem>>
        %dma_wait3A_57 = arith.constant 0 : i32
        %dma_wait3A_58 = arith.constant 0 : i32
        %dma_wait3A_59 = tpu.memref_slice %arg2[%dma_wait3A_57, %dma_wait3A_58] : memref<10000x128xf32, #tpu.memory_space<hbm>> -> memref<10000x128xf32, #tpu.memory_space<hbm>>
        tpu.wait_indirect_dma semaphore(%arg18 : memref<!tpu.dma_semaphore, #tpu.memory_space<semaphore_mem>>) src(%dma_wait3A_59 : memref<10000x128xf32, #tpu.memory_space<hbm>>) dst(%dma_wait3A_53 : memref<128x128xf32, #tpu.memory_space<vmem>>)
        %dma_wait3A_60 = arith.constant 1 : i32
        %dma_wait3A_61 = arith.constant 128 : i32
        %dma_wait3A_62 = arith.constant 0 : i32
        %dma_wait3A_63 = tpu.memref_slice %arg14[%dma_wait3A_61, %dma_wait3A_62] : memref<256x128xf32, #tpu.memory_space<vmem>> -> memref<128x128xf32, #tpu.memory_space<vmem>>
        %dma_wait3A_64 = arith.constant 0 : i32
        %dma_wait3A_65 = tpu.memref_slice %arg15[%dma_wait3A_60, %dma_wait3A_64] : memref<2x128xi32, #tpu.memory_space<vmem>> -> memref<1x128xi32, #tpu.memory_space<vmem>>
        %dma_wait3A_66 = tpu.memref_squeeze %dma_wait3A_65 : memref<1x128xi32, #tpu.memory_space<vmem>> -> memref<128xi32, #tpu.memory_space<vmem>>
        %dma_wait3A_67 = arith.constant 0 : i32
        %dma_wait3A_68 = arith.constant 0 : i32
        %dma_wait3A_69 = tpu.memref_slice %arg2[%dma_wait3A_67, %dma_wait3A_68] : memref<10000x128xf32, #tpu.memory_space<hbm>> -> memref<10000x128xf32, #tpu.memory_space<hbm>>
        tpu.wait_indirect_dma semaphore(%arg18 : memref<!tpu.dma_semaphore, #tpu.memory_space<semaphore_mem>>) src(%dma_wait3A_69 : memref<10000x128xf32, #tpu.memory_space<hbm>>) dst(%dma_wait3A_63 : memref<128x128xf32, #tpu.memory_space<vmem>>)
        %run_scoped3A = arith.constant 0 : i32
        "tpu.region"() ({
          %run_scoped3A_75 = tpu.sem_alloc : memref<!tpu.dma_semaphore, #tpu.memory_space<semaphore_mem>>
          %dma_start3A_76 = arith.constant 0 : i32
          %dma_start3A_77 = arith.constant 0 : i32
          %dma_start3A_78 = tpu.memref_slice %arg14[%dma_start3A_76, %dma_start3A_77] : memref<256x128xf32, #tpu.memory_space<vmem>> -> memref<128x128xf32, #tpu.memory_space<vmem>>
          %dma_start3A_79 = arith.constant 0 : i32
          %dma_start3A_80 = tpu.memref_slice %arg16[%run_scoped3A, %dma_start3A_79] : memref<2x128xi32, #tpu.memory_space<vmem>> -> memref<1x128xi32, #tpu.memory_space<vmem>>
          %dma_start3A_81 = tpu.memref_squeeze %dma_start3A_80 : memref<1x128xi32, #tpu.memory_space<vmem>> -> memref<128xi32, #tpu.memory_space<vmem>>
          %dma_start3A_82 = arith.constant 0 : i32
          %dma_start3A_83 = arith.constant 0 : i32
          %dma_start3A_84 = tpu.memref_slice %arg12[%dma_start3A_82, %dma_start3A_83] : memref<10240x128xf32, #tpu.memory_space<vmem_shared>> -> memref<10240x128xf32, #tpu.memory_space<vmem_shared>>
          tpu.enqueue_indirect_dma source(%dma_start3A_78 : memref<128x128xf32, #tpu.memory_space<vmem>>) target(%dma_start3A_84 : memref<10240x128xf32, #tpu.memory_space<vmem_shared>>) offsets(%dma_start3A_81 : memref<128xi32, #tpu.memory_space<vmem>>) semaphore(%run_scoped3A_75 : memref<!tpu.dma_semaphore, #tpu.memory_space<semaphore_mem>>) {add = true}
          %dma_wait3A_85 = arith.constant 0 : i32
          %dma_wait3A_86 = arith.constant 0 : i32
          %dma_wait3A_87 = tpu.memref_slice %arg14[%dma_wait3A_85, %dma_wait3A_86] : memref<256x128xf32, #tpu.memory_space<vmem>> -> memref<128x128xf32, #tpu.memory_space<vmem>>
          %dma_wait3A_88 = arith.constant 0 : i32
          %dma_wait3A_89 = tpu.memref_slice %arg16[%run_scoped3A, %dma_wait3A_88] : memref<2x128xi32, #tpu.memory_space<vmem>> -> memref<1x128xi32, #tpu.memory_space<vmem>>
          %dma_wait3A_90 = tpu.memref_squeeze %dma_wait3A_89 : memref<1x128xi32, #tpu.memory_space<vmem>> -> memref<128xi32, #tpu.memory_space<vmem>>
          %dma_wait3A_91 = arith.constant 0 : i32
          %dma_wait3A_92 = arith.constant 0 : i32
          %dma_wait3A_93 = tpu.memref_slice %arg12[%dma_wait3A_91, %dma_wait3A_92] : memref<10240x128xf32, #tpu.memory_space<vmem_shared>> -> memref<10240x128xf32, #tpu.memory_space<vmem_shared>>
          tpu.wait_indirect_dma semaphore(%run_scoped3A_75 : memref<!tpu.dma_semaphore, #tpu.memory_space<semaphore_mem>>) src(%dma_wait3A_87 : memref<128x128xf32, #tpu.memory_space<vmem>>) dst(%dma_wait3A_93 : memref<10240x128xf32, #tpu.memory_space<vmem_shared>>)
          tpu.yield
        }) : () -> ()
        %run_scoped3A_70 = arith.constant 0 : i32
        %run_scoped3A_71 = arith.constant 0 : i32
        "tpu.region"() ({
          %run_scoped3A_75 = tpu.sem_alloc : memref<!tpu.dma_semaphore, #tpu.memory_space<semaphore_mem>>
          %dma_start3A_76 = arith.constant 0 : i32
          %dma_start3A_77 = tpu.memref_slice %arg17[%run_scoped3A_70, %dma_start3A_76] : memref<2x128xf32, #tpu.memory_space<vmem>> -> memref<1x128xf32, #tpu.memory_space<vmem>>
          %dma_start3A_78 = tpu.memref_squeeze %dma_start3A_77 : memref<1x128xf32, #tpu.memory_space<vmem>> -> memref<128xf32, #tpu.memory_space<vmem>>
          %dma_start3A_79 = arith.constant 0 : i32
          %dma_start3A_80 = tpu.memref_slice %arg16[%run_scoped3A_71, %dma_start3A_79] : memref<2x128xi32, #tpu.memory_space<vmem>> -> memref<1x128xi32, #tpu.memory_space<vmem>>
          %dma_start3A_81 = tpu.memref_squeeze %dma_start3A_80 : memref<1x128xi32, #tpu.memory_space<vmem>> -> memref<128xi32, #tpu.memory_space<vmem>>
          %dma_start3A_82 = arith.constant 0 : i32
          %dma_start3A_83 = tpu.memref_slice %arg13[%dma_start3A_82] : memref<10240xf32, #tpu.memory_space<vmem_shared>> -> memref<10240xf32, #tpu.memory_space<vmem_shared>>
          tpu.enqueue_indirect_dma source(%dma_start3A_78 : memref<128xf32, #tpu.memory_space<vmem>>) target(%dma_start3A_83 : memref<10240xf32, #tpu.memory_space<vmem_shared>>) offsets(%dma_start3A_81 : memref<128xi32, #tpu.memory_space<vmem>>) semaphore(%run_scoped3A_75 : memref<!tpu.dma_semaphore, #tpu.memory_space<semaphore_mem>>) {add = true}
          %dma_wait3A_84 = arith.constant 0 : i32
          %dma_wait3A_85 = tpu.memref_slice %arg17[%run_scoped3A_70, %dma_wait3A_84] : memref<2x128xf32, #tpu.memory_space<vmem>> -> memref<1x128xf32, #tpu.memory_space<vmem>>
          %dma_wait3A_86 = tpu.memref_squeeze %dma_wait3A_85 : memref<1x128xf32, #tpu.memory_space<vmem>> -> memref<128xf32, #tpu.memory_space<vmem>>
          %dma_wait3A_87 = arith.constant 0 : i32
          %dma_wait3A_88 = tpu.memref_slice %arg16[%run_scoped3A_71, %dma_wait3A_87] : memref<2x128xi32, #tpu.memory_space<vmem>> -> memref<1x128xi32, #tpu.memory_space<vmem>>
          %dma_wait3A_89 = tpu.memref_squeeze %dma_wait3A_88 : memref<1x128xi32, #tpu.memory_space<vmem>> -> memref<128xi32, #tpu.memory_space<vmem>>
          %dma_wait3A_90 = arith.constant 0 : i32
          %dma_wait3A_91 = tpu.memref_slice %arg13[%dma_wait3A_90] : memref<10240xf32, #tpu.memory_space<vmem_shared>> -> memref<10240xf32, #tpu.memory_space<vmem_shared>>
          tpu.wait_indirect_dma semaphore(%run_scoped3A_75 : memref<!tpu.dma_semaphore, #tpu.memory_space<semaphore_mem>>) src(%dma_wait3A_86 : memref<128xf32, #tpu.memory_space<vmem>>) dst(%dma_wait3A_91 : memref<10240xf32, #tpu.memory_space<vmem_shared>>)
          tpu.yield
        }) : () -> ()
        %run_scoped3A_72 = arith.constant 1 : i32
        "tpu.region"() ({
          %run_scoped3A_75 = tpu.sem_alloc : memref<!tpu.dma_semaphore, #tpu.memory_space<semaphore_mem>>
          %dma_start3A_76 = arith.constant 128 : i32
          %dma_start3A_77 = arith.constant 0 : i32
          %dma_start3A_78 = tpu.memref_slice %arg14[%dma_start3A_76, %dma_start3A_77] : memref<256x128xf32, #tpu.memory_space<vmem>> -> memref<128x128xf32, #tpu.memory_space<vmem>>
          %dma_start3A_79 = arith.constant 0 : i32
          %dma_start3A_80 = tpu.memref_slice %arg16[%run_scoped3A_72, %dma_start3A_79] : memref<2x128xi32, #tpu.memory_space<vmem>> -> memref<1x128xi32, #tpu.memory_space<vmem>>
          %dma_start3A_81 = tpu.memref_squeeze %dma_start3A_80 : memref<1x128xi32, #tpu.memory_space<vmem>> -> memref<128xi32, #tpu.memory_space<vmem>>
          %dma_start3A_82 = arith.constant 0 : i32
          %dma_start3A_83 = arith.constant 0 : i32
          %dma_start3A_84 = tpu.memref_slice %arg12[%dma_start3A_82, %dma_start3A_83] : memref<10240x128xf32, #tpu.memory_space<vmem_shared>> -> memref<10240x128xf32, #tpu.memory_space<vmem_shared>>
          tpu.enqueue_indirect_dma source(%dma_start3A_78 : memref<128x128xf32, #tpu.memory_space<vmem>>) target(%dma_start3A_84 : memref<10240x128xf32, #tpu.memory_space<vmem_shared>>) offsets(%dma_start3A_81 : memref<128xi32, #tpu.memory_space<vmem>>) semaphore(%run_scoped3A_75 : memref<!tpu.dma_semaphore, #tpu.memory_space<semaphore_mem>>) {add = true}
          %dma_wait3A_85 = arith.constant 128 : i32
          %dma_wait3A_86 = arith.constant 0 : i32
          %dma_wait3A_87 = tpu.memref_slice %arg14[%dma_wait3A_85, %dma_wait3A_86] : memref<256x128xf32, #tpu.memory_space<vmem>> -> memref<128x128xf32, #tpu.memory_space<vmem>>
          %dma_wait3A_88 = arith.constant 0 : i32
          %dma_wait3A_89 = tpu.memref_slice %arg16[%run_scoped3A_72, %dma_wait3A_88] : memref<2x128xi32, #tpu.memory_space<vmem>> -> memref<1x128xi32, #tpu.memory_space<vmem>>
          %dma_wait3A_90 = tpu.memref_squeeze %dma_wait3A_89 : memref<1x128xi32, #tpu.memory_space<vmem>> -> memref<128xi32, #tpu.memory_space<vmem>>
          %dma_wait3A_91 = arith.constant 0 : i32
          %dma_wait3A_92 = arith.constant 0 : i32
          %dma_wait3A_93 = tpu.memref_slice %arg12[%dma_wait3A_91, %dma_wait3A_92] : memref<10240x128xf32, #tpu.memory_space<vmem_shared>> -> memref<10240x128xf32, #tpu.memory_space<vmem_shared>>
          tpu.wait_indirect_dma semaphore(%run_scoped3A_75 : memref<!tpu.dma_semaphore, #tpu.memory_space<semaphore_mem>>) src(%dma_wait3A_87 : memref<128x128xf32, #tpu.memory_space<vmem>>) dst(%dma_wait3A_93 : memref<10240x128xf32, #tpu.memory_space<vmem_shared>>)
          tpu.yield
        }) : () -> ()
        %run_scoped3A_73 = arith.constant 1 : i32
        %run_scoped3A_74 = arith.constant 1 : i32
        "tpu.region"() ({
          %run_scoped3A_75 = tpu.sem_alloc : memref<!tpu.dma_semaphore, #tpu.memory_space<semaphore_mem>>
          %dma_start3A_76 = arith.constant 0 : i32
          %dma_start3A_77 = tpu.memref_slice %arg17[%run_scoped3A_73, %dma_start3A_76] : memref<2x128xf32, #tpu.memory_space<vmem>> -> memref<1x128xf32, #tpu.memory_space<vmem>>
          %dma_start3A_78 = tpu.memref_squeeze %dma_start3A_77 : memref<1x128xf32, #tpu.memory_space<vmem>> -> memref<128xf32, #tpu.memory_space<vmem>>
          %dma_start3A_79 = arith.constant 0 : i32
          %dma_start3A_80 = tpu.memref_slice %arg16[%run_scoped3A_74, %dma_start3A_79] : memref<2x128xi32, #tpu.memory_space<vmem>> -> memref<1x128xi32, #tpu.memory_space<vmem>>
          %dma_start3A_81 = tpu.memref_squeeze %dma_start3A_80 : memref<1x128xi32, #tpu.memory_space<vmem>> -> memref<128xi32, #tpu.memory_space<vmem>>
          %dma_start3A_82 = arith.constant 0 : i32
          %dma_start3A_83 = tpu.memref_slice %arg13[%dma_start3A_82] : memref<10240xf32, #tpu.memory_space<vmem_shared>> -> memref<10240xf32, #tpu.memory_space<vmem_shared>>
          tpu.enqueue_indirect_dma source(%dma_start3A_78 : memref<128xf32, #tpu.memory_space<vmem>>) target(%dma_start3A_83 : memref<10240xf32, #tpu.memory_space<vmem_shared>>) offsets(%dma_start3A_81 : memref<128xi32, #tpu.memory_space<vmem>>) semaphore(%run_scoped3A_75 : memref<!tpu.dma_semaphore, #tpu.memory_space<semaphore_mem>>) {add = true}
          %dma_wait3A_84 = arith.constant 0 : i32
          %dma_wait3A_85 = tpu.memref_slice %arg17[%run_scoped3A_73, %dma_wait3A_84] : memref<2x128xf32, #tpu.memory_space<vmem>> -> memref<1x128xf32, #tpu.memory_space<vmem>>
          %dma_wait3A_86 = tpu.memref_squeeze %dma_wait3A_85 : memref<1x128xf32, #tpu.memory_space<vmem>> -> memref<128xf32, #tpu.memory_space<vmem>>
          %dma_wait3A_87 = arith.constant 0 : i32
          %dma_wait3A_88 = tpu.memref_slice %arg16[%run_scoped3A_74, %dma_wait3A_87] : memref<2x128xi32, #tpu.memory_space<vmem>> -> memref<1x128xi32, #tpu.memory_space<vmem>>
          %dma_wait3A_89 = tpu.memref_squeeze %dma_wait3A_88 : memref<1x128xi32, #tpu.memory_space<vmem>> -> memref<128xi32, #tpu.memory_space<vmem>>
          %dma_wait3A_90 = arith.constant 0 : i32
          %dma_wait3A_91 = tpu.memref_slice %arg13[%dma_wait3A_90] : memref<10240xf32, #tpu.memory_space<vmem_shared>> -> memref<10240xf32, #tpu.memory_space<vmem_shared>>
          tpu.wait_indirect_dma semaphore(%run_scoped3A_75 : memref<!tpu.dma_semaphore, #tpu.memory_space<semaphore_mem>>) src(%dma_wait3A_86 : memref<128xf32, #tpu.memory_space<vmem>>) dst(%dma_wait3A_91 : memref<10240xf32, #tpu.memory_space<vmem_shared>>)
          tpu.yield
        }) : () -> ()
      } else {
      }
      %scan3A_31 = arith.constant 0 : i32
      scf.yield %scan3A_31 : i32
    }
    %scan3A_10 = arith.constant 40 : i32
    %barrier3A_11 = arith.constant 0 : index
    tpu.barrier barrier_id(%barrier3A_11)
    %eq3A_12 = arith.constant 0 : i32
    %eq3A_13 = arith.cmpi eq, %arg0, %eq3A_12 : i32
    %convert_element_type3A_14 = arith.extui %eq3A_13 : i1 to i32
    %cond3A_15 = arith.constant 0 : i32
    %cond3A_16 = arith.cmpi ne, %convert_element_type3A_14, %cond3A_15 : i32
    scf.if %cond3A_16 {
      "tpu.region"() ({
        %run_scoped3A = tpu.sem_alloc : memref<!tpu.dma_semaphore, #tpu.memory_space<semaphore_mem>>
        %dma_start3A = arith.constant 0 : i32
        %dma_start3A_27 = tpu.memref_slice %arg8[%mul3A_2, %dma_start3A] : memref<10240x128xf32, #tpu.memory_space<hbm>> -> memref<640x128xf32, #tpu.memory_space<hbm>>
        %dma_start3A_28 = arith.constant 0 : i32
        %dma_start3A_29 = tpu.memref_slice %arg12[%mul3A_2, %dma_start3A_28] : memref<10240x128xf32, #tpu.memory_space<vmem_shared>> -> memref<640x128xf32, #tpu.memory_space<vmem_shared>>
        tpu.enqueue_dma source(%dma_start3A_29 : memref<640x128xf32, #tpu.memory_space<vmem_shared>>) target(%dma_start3A_27 : memref<640x128xf32, #tpu.memory_space<hbm>>) target_semaphore(%run_scoped3A : memref<!tpu.dma_semaphore, #tpu.memory_space<semaphore_mem>>)
        %dma_wait3A = arith.constant 0 : i32
        %dma_wait3A_30 = tpu.memref_slice %arg8[%mul3A_2, %dma_wait3A] : memref<10240x128xf32, #tpu.memory_space<hbm>> -> memref<640x128xf32, #tpu.memory_space<hbm>>
        %dma_wait3A_31 = arith.constant 0 : i32
        %dma_wait3A_32 = tpu.memref_slice %arg12[%mul3A_2, %dma_wait3A_31] : memref<10240x128xf32, #tpu.memory_space<vmem_shared>> -> memref<640x128xf32, #tpu.memory_space<vmem_shared>>
        tpu.wait_dma2 semaphore(%run_scoped3A : memref<!tpu.dma_semaphore, #tpu.memory_space<semaphore_mem>>) src(%dma_wait3A_32 : memref<640x128xf32, #tpu.memory_space<vmem_shared>>) dst(%dma_wait3A_30 : memref<640x128xf32, #tpu.memory_space<hbm>>)
        tpu.yield
      }) : () -> ()
      %eq3A_22 = arith.constant 0 : i32
      %eq3A_23 = arith.cmpi eq, %arg1, %eq3A_22 : i32
      %convert_element_type3A_24 = arith.extui %eq3A_23 : i1 to i32
      %cond3A_25 = arith.constant 0 : i32
      %cond3A_26 = arith.cmpi ne, %convert_element_type3A_24, %cond3A_25 : i32
      scf.if %cond3A_26 {
        "tpu.region"() ({
          %run_scoped3A = tpu.sem_alloc : memref<!tpu.dma_semaphore, #tpu.memory_space<semaphore_mem>>
          tpu.enqueue_dma source(%arg13 : memref<10240xf32, #tpu.memory_space<vmem_shared>>) target(%arg10 : memref<10240xf32, #tpu.memory_space<hbm>>) target_semaphore(%run_scoped3A : memref<!tpu.dma_semaphore, #tpu.memory_space<semaphore_mem>>)
          tpu.wait_dma2 semaphore(%run_scoped3A : memref<!tpu.dma_semaphore, #tpu.memory_space<semaphore_mem>>) src(%arg13 : memref<10240xf32, #tpu.memory_space<vmem_shared>>) dst(%arg10 : memref<10240xf32, #tpu.memory_space<hbm>>)
          tpu.yield
        }) : () -> ()
      } else {
      }
    } else {
    }
    %eq3A_17 = arith.constant 1 : i32
    %eq3A_18 = arith.cmpi eq, %arg0, %eq3A_17 : i32
    %convert_element_type3A_19 = arith.extui %eq3A_18 : i1 to i32
    %cond3A_20 = arith.constant 0 : i32
    %cond3A_21 = arith.cmpi ne, %convert_element_type3A_19, %cond3A_20 : i32
    scf.if %cond3A_21 {
      "tpu.region"() ({
        %run_scoped3A = tpu.sem_alloc : memref<!tpu.dma_semaphore, #tpu.memory_space<semaphore_mem>>
        %dma_start3A = arith.constant 0 : i32
        %dma_start3A_27 = tpu.memref_slice %arg9[%mul3A_2, %dma_start3A] : memref<10240x128xf32, #tpu.memory_space<hbm>> -> memref<640x128xf32, #tpu.memory_space<hbm>>
        %dma_start3A_28 = arith.constant 0 : i32
        %dma_start3A_29 = tpu.memref_slice %arg12[%mul3A_2, %dma_start3A_28] : memref<10240x128xf32, #tpu.memory_space<vmem_shared>> -> memref<640x128xf32, #tpu.memory_space<vmem_shared>>
        tpu.enqueue_dma source(%dma_start3A_29 : memref<640x128xf32, #tpu.memory_space<vmem_shared>>) target(%dma_start3A_27 : memref<640x128xf32, #tpu.memory_space<hbm>>) target_semaphore(%run_scoped3A : memref<!tpu.dma_semaphore, #tpu.memory_space<semaphore_mem>>)
        %dma_wait3A = arith.constant 0 : i32
        %dma_wait3A_30 = tpu.memref_slice %arg9[%mul3A_2, %dma_wait3A] : memref<10240x128xf32, #tpu.memory_space<hbm>> -> memref<640x128xf32, #tpu.memory_space<hbm>>
        %dma_wait3A_31 = arith.constant 0 : i32
        %dma_wait3A_32 = tpu.memref_slice %arg12[%mul3A_2, %dma_wait3A_31] : memref<10240x128xf32, #tpu.memory_space<vmem_shared>> -> memref<640x128xf32, #tpu.memory_space<vmem_shared>>
        tpu.wait_dma2 semaphore(%run_scoped3A : memref<!tpu.dma_semaphore, #tpu.memory_space<semaphore_mem>>) src(%dma_wait3A_32 : memref<640x128xf32, #tpu.memory_space<vmem_shared>>) dst(%dma_wait3A_30 : memref<640x128xf32, #tpu.memory_space<hbm>>)
        tpu.yield
      }) : () -> ()
      %eq3A_22 = arith.constant 0 : i32
      %eq3A_23 = arith.cmpi eq, %arg1, %eq3A_22 : i32
      %convert_element_type3A_24 = arith.extui %eq3A_23 : i1 to i32
      %cond3A_25 = arith.constant 0 : i32
      %cond3A_26 = arith.cmpi ne, %convert_element_type3A_24, %cond3A_25 : i32
      scf.if %cond3A_26 {
        "tpu.region"() ({
          %run_scoped3A = tpu.sem_alloc : memref<!tpu.dma_semaphore, #tpu.memory_space<semaphore_mem>>
          tpu.enqueue_dma source(%arg13 : memref<10240xf32, #tpu.memory_space<vmem_shared>>) target(%arg11 : memref<10240xf32, #tpu.memory_space<hbm>>) target_semaphore(%run_scoped3A : memref<!tpu.dma_semaphore, #tpu.memory_space<semaphore_mem>>)
          tpu.wait_dma2 semaphore(%run_scoped3A : memref<!tpu.dma_semaphore, #tpu.memory_space<semaphore_mem>>) src(%arg13 : memref<10240xf32, #tpu.memory_space<vmem_shared>>) dst(%arg11 : memref<10240xf32, #tpu.memory_space<hbm>>)
          tpu.yield
        }) : () -> ()
      } else {
      }
    } else {
    }
    return
  }
}

module attributes {stable_mosaic.version = 14 : i64} {
  func.func @_pre_body(%arg0: i32, %arg1: memref<2000x1xf32, #tpu.memory_space<vmem>>, %arg2: memref<2000x128xf32, #tpu.memory_space<vmem>>, %arg3: memref<1x128xf32, #tpu.memory_space<vmem>>, %arg4: memref<128x128xf32, #tpu.memory_space<vmem>>, %arg5: memref<128x128xf32, #tpu.memory_space<vmem>>, %arg6: memref<128x128xf32, #tpu.memory_space<vmem>>, %arg7: memref<2000x128xf32, #tpu.memory_space<vmem>>, %arg8: memref<2000x128xf32, #tpu.memory_space<vmem>>, %arg9: memref<2000x128xf32, #tpu.memory_space<vmem>>) attributes {dimension_semantics = [#tpu.dimension_semantics<arbitrary>], iteration_bounds = array<i64: 5>, scalar_prefetch = 0 : i64, scratch_operands = 0 : i64, tpu.core_type = #tpu.core_type<tc>, window_params = [{transform_indices = @transform_0, window_bounds = array<i64: 2000, 1>}, {transform_indices = @transform_1, window_bounds = array<i64: 2000, 128>}, {pipeline_mode = #tpu.pipeline_mode<synchronous>, transform_indices = @transform_2, window_bounds = array<i64: 1, 128>}, {pipeline_mode = #tpu.pipeline_mode<synchronous>, transform_indices = @transform_3, window_bounds = array<i64: 128, 128>}, {pipeline_mode = #tpu.pipeline_mode<synchronous>, transform_indices = @transform_4, window_bounds = array<i64: 128, 128>}, {pipeline_mode = #tpu.pipeline_mode<synchronous>, transform_indices = @transform_5, window_bounds = array<i64: 128, 128>}, {transform_indices = @transform_6, window_bounds = array<i64: 2000, 128>}, {transform_indices = @transform_7, window_bounds = array<i64: 2000, 128>}, {transform_indices = @transform_8, window_bounds = array<i64: 2000, 128>}]} {
    %get3A = arith.constant 0 : index
    %get3A_0 = arith.constant 0 : index
    %get3A_1 = vector.load %arg1[%get3A, %get3A_0] : memref<2000x1xf32, #tpu.memory_space<vmem>>, vector<2000x1xf32>
    %get3A_2 = arith.constant 0 : index
    %get3A_3 = arith.constant 0 : index
    %get3A_4 = vector.load %arg3[%get3A_2, %get3A_3] : memref<1x128xf32, #tpu.memory_space<vmem>>, vector<1x128xf32>
    %mul3A = vector.broadcast %get3A_1 : vector<2000x1xf32> to vector<2000x128xf32>
    %mul3A_5 = vector.broadcast %get3A_4 : vector<1x128xf32> to vector<2000x128xf32>
    %mul3A_6 = arith.mulf %mul3A, %mul3A_5 : vector<2000x128xf32>
    %max3A = arith.constant 0.000000e+00 : f32
    %max3A_7 = vector.broadcast %max3A : f32 to vector<2000x128xf32>
    %max3A_8 = arith.maximumf %mul3A_6, %max3A_7 : vector<2000x128xf32>
    %get3A_9 = arith.constant 0 : index
    %get3A_10 = arith.constant 0 : index
    %get3A_11 = vector.load %arg2[%get3A_9, %get3A_10] : memref<2000x128xf32, #tpu.memory_space<vmem>>, vector<2000x128xf32>
    %get3A_12 = arith.constant 0 : index
    %get3A_13 = arith.constant 0 : index
    %get3A_14 = vector.load %arg4[%get3A_12, %get3A_13] : memref<128x128xf32, #tpu.memory_space<vmem>>, vector<128x128xf32>
    %dot_general3A = arith.constant dense<0.000000e+00> : vector<2000x128xf32>
    %dot_general3A_15 = tpu.matmul %get3A_11, %get3A_14, %dot_general3A {dimension_numbers = #tpu.dot_dimension_numbers<[1], [0], [0], [1], [0, 0, 1, 1], [], []>, transpose_lhs_hint = false} : vector<2000x128xf32>, vector<128x128xf32>, vector<2000x128xf32> -> vector<2000x128xf32>
    %max3A_16 = arith.constant 0.000000e+00 : f32
    %max3A_17 = vector.broadcast %max3A_16 : f32 to vector<2000x128xf32>
    %max3A_18 = arith.maximumf %dot_general3A_15, %max3A_17 : vector<2000x128xf32>
    %get3A_19 = arith.constant 0 : index
    %get3A_20 = arith.constant 0 : index
    %get3A_21 = vector.load %arg5[%get3A_19, %get3A_20] : memref<128x128xf32, #tpu.memory_space<vmem>>, vector<128x128xf32>
    %dot_general3A_22 = arith.constant dense<0.000000e+00> : vector<2000x128xf32>
    %dot_general3A_23 = tpu.matmul %max3A_8, %get3A_21, %dot_general3A_22 {dimension_numbers = #tpu.dot_dimension_numbers<[1], [0], [0], [1], [0, 0, 1, 1], [], []>, transpose_lhs_hint = false} : vector<2000x128xf32>, vector<128x128xf32>, vector<2000x128xf32> -> vector<2000x128xf32>
    %get3A_24 = arith.constant 0 : index
    %get3A_25 = arith.constant 0 : index
    %get3A_26 = vector.load %arg6[%get3A_24, %get3A_25] : memref<128x128xf32, #tpu.memory_space<vmem>>, vector<128x128xf32>
    %dot_general3A_27 = arith.constant dense<0.000000e+00> : vector<2000x128xf32>
    %dot_general3A_28 = tpu.matmul %max3A_18, %get3A_26, %dot_general3A_27 {dimension_numbers = #tpu.dot_dimension_numbers<[1], [0], [0], [1], [0, 0, 1, 1], [], []>, transpose_lhs_hint = false} : vector<2000x128xf32>, vector<128x128xf32>, vector<2000x128xf32> -> vector<2000x128xf32>
    %add3A = arith.addf %dot_general3A_23, %dot_general3A_28 : vector<2000x128xf32>
    %swap3A = arith.constant 0 : index
    %swap3A_29 = arith.constant 0 : index
    %swap3A_30 = vector.load %arg7[%swap3A, %swap3A_29] : memref<2000x128xf32, #tpu.memory_space<vmem>>, vector<2000x128xf32>
    tpu.vector_store %arg7[%swap3A, %swap3A_29], %max3A_8 {strides = array<i32>} : memref<2000x128xf32, #tpu.memory_space<vmem>>, vector<2000x128xf32>,
    %swap3A_31 = arith.constant 0 : index
    %swap3A_32 = arith.constant 0 : index
    %swap3A_33 = vector.load %arg8[%swap3A_31, %swap3A_32] : memref<2000x128xf32, #tpu.memory_space<vmem>>, vector<2000x128xf32>
    tpu.vector_store %arg8[%swap3A_31, %swap3A_32], %max3A_18 {strides = array<i32>} : memref<2000x128xf32, #tpu.memory_space<vmem>>, vector<2000x128xf32>,
    %swap3A_34 = arith.constant 0 : index
    %swap3A_35 = arith.constant 0 : index
    %swap3A_36 = vector.load %arg9[%swap3A_34, %swap3A_35] : memref<2000x128xf32, #tpu.memory_space<vmem>>, vector<2000x128xf32>
    tpu.vector_store %arg9[%swap3A_34, %swap3A_35], %add3A {strides = array<i32>} : memref<2000x128xf32, #tpu.memory_space<vmem>>, vector<2000x128xf32>,
    return
  }
  func.func @transform_0(%arg0: i32) -> (i32, i32) {
    %c0_i32 = arith.constant 0 : i32
    %c0_i32_0 = arith.constant 0 : i32
    return %arg0, %c0_i32 : i32, i32
  }
  func.func @transform_1(%arg0: i32) -> (i32, i32) {
    %c0_i32 = arith.constant 0 : i32
    %c0_i32_0 = arith.constant 0 : i32
    return %arg0, %c0_i32 : i32, i32
  }
  func.func @transform_2(%arg0: i32) -> (i32, i32) {
    %c0_i32 = arith.constant 0 : i32
    %c0_i32_0 = arith.constant 0 : i32
    %c0_i32_1 = arith.constant 0 : i32
    return %c0_i32, %c0_i32_0 : i32, i32
  }
  func.func @transform_3(%arg0: i32) -> (i32, i32) {
    %c0_i32 = arith.constant 0 : i32
    %c0_i32_0 = arith.constant 0 : i32
    %c0_i32_1 = arith.constant 0 : i32
    return %c0_i32, %c0_i32_0 : i32, i32
  }
  func.func @transform_4(%arg0: i32) -> (i32, i32) {
    %c0_i32 = arith.constant 0 : i32
    %c0_i32_0 = arith.constant 0 : i32
    %c0_i32_1 = arith.constant 0 : i32
    return %c0_i32, %c0_i32_0 : i32, i32
  }
  func.func @transform_5(%arg0: i32) -> (i32, i32) {
    %c0_i32 = arith.constant 0 : i32
    %c0_i32_0 = arith.constant 0 : i32
    %c0_i32_1 = arith.constant 0 : i32
    return %c0_i32, %c0_i32_0 : i32, i32
  }
  func.func @transform_6(%arg0: i32) -> (i32, i32) {
    %c0_i32 = arith.constant 0 : i32
    %c0_i32_0 = arith.constant 0 : i32
    return %arg0, %c0_i32 : i32, i32
  }
  func.func @transform_7(%arg0: i32) -> (i32, i32) {
    %c0_i32 = arith.constant 0 : i32
    %c0_i32_0 = arith.constant 0 : i32
    return %arg0, %c0_i32 : i32, i32
  }
  func.func @transform_8(%arg0: i32) -> (i32, i32) {
    %c0_i32 = arith.constant 0 : i32
    %c0_i32_0 = arith.constant 0 : i32
    return %arg0, %c0_i32 : i32, i32
  }
}

module attributes {stable_mosaic.version = 14 : i64} {
  func.func @_post_body(%arg0: i32, %arg1: memref<2000x128xf32, #tpu.memory_space<vmem>>, %arg2: memref<2000x128xf32, #tpu.memory_space<vmem>>, %arg3: memref<2000x128xf32, #tpu.memory_space<vmem>>, %arg4: memref<2000x128xf32, #tpu.memory_space<vmem>>, %arg5: memref<2000x1xf32, #tpu.memory_space<vmem>>, %arg6: memref<2000x1xf32, #tpu.memory_space<vmem>>, %arg7: memref<1x128xf32, #tpu.memory_space<vmem>>, %arg8: memref<128x128xf32, #tpu.memory_space<vmem>>, %arg9: memref<2000x128xf32, #tpu.memory_space<vmem>>) attributes {dimension_semantics = [#tpu.dimension_semantics<arbitrary>], iteration_bounds = array<i64: 5>, scalar_prefetch = 0 : i64, scratch_operands = 0 : i64, tpu.core_type = #tpu.core_type<tc>, window_params = [{transform_indices = @transform_0, window_bounds = array<i64: 2000, 128>}, {transform_indices = @transform_1, window_bounds = array<i64: 2000, 128>}, {transform_indices = @transform_2, window_bounds = array<i64: 2000, 128>}, {transform_indices = @transform_3, window_bounds = array<i64: 2000, 128>}, {transform_indices = @transform_4, window_bounds = array<i64: 2000, 1>}, {transform_indices = @transform_5, window_bounds = array<i64: 2000, 1>}, {pipeline_mode = #tpu.pipeline_mode<synchronous>, transform_indices = @transform_6, window_bounds = array<i64: 1, 128>}, {pipeline_mode = #tpu.pipeline_mode<synchronous>, transform_indices = @transform_7, window_bounds = array<i64: 128, 128>}, {transform_indices = @transform_8, window_bounds = array<i64: 2000, 128>}]} {
    %get3A = arith.constant 0 : index
    %get3A_0 = arith.constant 0 : index
    %get3A_1 = vector.load %arg7[%get3A, %get3A_0] : memref<1x128xf32, #tpu.memory_space<vmem>>, vector<1x128xf32>
    %max3A = arith.constant 0.000000e+00 : f32
    %max3A_2 = vector.broadcast %max3A : f32 to vector<1x128xf32>
    %max3A_3 = arith.maximumf %get3A_1, %max3A_2 : vector<1x128xf32>
    %get3A_4 = arith.constant 0 : index
    %get3A_5 = arith.constant 0 : index
    %get3A_6 = vector.load %arg8[%get3A_4, %get3A_5] : memref<128x128xf32, #tpu.memory_space<vmem>>, vector<128x128xf32>
    %dot_general3A = arith.constant dense<0.000000e+00> : vector<1x128xf32>
    %dot_general3A_7 = tpu.matmul %max3A_3, %get3A_6, %dot_general3A {dimension_numbers = #tpu.dot_dimension_numbers<[1], [0], [0], [1], [0, 0, 1, 1], [], []>, transpose_lhs_hint = false} : vector<1x128xf32>, vector<128x128xf32>, vector<1x128xf32> -> vector<1x128xf32>
    %get3A_8 = arith.constant 0 : index
    %get3A_9 = arith.constant 0 : index
    %get3A_10 = vector.load %arg3[%get3A_8, %get3A_9] : memref<2000x128xf32, #tpu.memory_space<vmem>>, vector<2000x128xf32>
    %get3A_11 = arith.constant 0 : index
    %get3A_12 = arith.constant 0 : index
    %get3A_13 = vector.load %arg4[%get3A_11, %get3A_12] : memref<2000x128xf32, #tpu.memory_space<vmem>>, vector<2000x128xf32>
    %add3A = arith.addf %get3A_10, %get3A_13 : vector<2000x128xf32>
    %get3A_14 = arith.constant 0 : index
    %get3A_15 = arith.constant 0 : index
    %get3A_16 = vector.load %arg5[%get3A_14, %get3A_15] : memref<2000x1xf32, #tpu.memory_space<vmem>>, vector<2000x1xf32>
    %get3A_17 = arith.constant 0 : index
    %get3A_18 = arith.constant 0 : index
    %get3A_19 = vector.load %arg6[%get3A_17, %get3A_18] : memref<2000x1xf32, #tpu.memory_space<vmem>>, vector<2000x1xf32>
    %add3A_20 = arith.addf %get3A_16, %get3A_19 : vector<2000x1xf32>
    %mul3A = vector.broadcast %add3A_20 : vector<2000x1xf32> to vector<2000x128xf32>
    %mul3A_21 = vector.broadcast %dot_general3A_7 : vector<1x128xf32> to vector<2000x128xf32>
    %mul3A_22 = arith.mulf %mul3A, %mul3A_21 : vector<2000x128xf32>
    %add3A_23 = arith.addf %add3A, %mul3A_22 : vector<2000x128xf32>
    %get3A_24 = arith.constant 0 : index
    %get3A_25 = arith.constant 0 : index
    %get3A_26 = vector.load %arg1[%get3A_24, %get3A_25] : memref<2000x128xf32, #tpu.memory_space<vmem>>, vector<2000x128xf32>
    %get3A_27 = arith.constant 0 : index
    %get3A_28 = arith.constant 0 : index
    %get3A_29 = vector.load %arg2[%get3A_27, %get3A_28] : memref<2000x128xf32, #tpu.memory_space<vmem>>, vector<2000x128xf32>
    %add3A_30 = arith.addf %get3A_26, %get3A_29 : vector<2000x128xf32>
    %max3A_31 = arith.constant 0.000000e+00 : f32
    %max3A_32 = vector.broadcast %max3A_31 : f32 to vector<2000x128xf32>
    %max3A_33 = arith.maximumf %add3A_23, %max3A_32 : vector<2000x128xf32>
    %add3A_34 = arith.addf %add3A_30, %max3A_33 : vector<2000x128xf32>
    %max3A_35 = arith.constant 0.000000e+00 : f32
    %max3A_36 = vector.broadcast %max3A_35 : f32 to vector<2000x128xf32>
    %max3A_37 = arith.maximumf %add3A_34, %max3A_36 : vector<2000x128xf32>
    %swap3A = arith.constant 0 : index
    %swap3A_38 = arith.constant 0 : index
    %swap3A_39 = vector.load %arg9[%swap3A, %swap3A_38] : memref<2000x128xf32, #tpu.memory_space<vmem>>, vector<2000x128xf32>
    tpu.vector_store %arg9[%swap3A, %swap3A_38], %max3A_37 {strides = array<i32>} : memref<2000x128xf32, #tpu.memory_space<vmem>>, vector<2000x128xf32>,
    return
  }
  func.func @transform_0(%arg0: i32) -> (i32, i32) {
    %c0_i32 = arith.constant 0 : i32
    %c0_i32_0 = arith.constant 0 : i32
    return %arg0, %c0_i32 : i32, i32
  }
  func.func @transform_1(%arg0: i32) -> (i32, i32) {
    %c0_i32 = arith.constant 0 : i32
    %c0_i32_0 = arith.constant 0 : i32
    return %arg0, %c0_i32 : i32, i32
  }
  func.func @transform_2(%arg0: i32) -> (i32, i32) {
    %c0_i32 = arith.constant 0 : i32
    %c0_i32_0 = arith.constant 0 : i32
    return %arg0, %c0_i32 : i32, i32
  }
  func.func @transform_3(%arg0: i32) -> (i32, i32) {
    %c0_i32 = arith.constant 0 : i32
    %c0_i32_0 = arith.constant 0 : i32
    return %arg0, %c0_i32 : i32, i32
  }
  func.func @transform_4(%arg0: i32) -> (i32, i32) {
    %c0_i32 = arith.constant 0 : i32
    %c0_i32_0 = arith.constant 0 : i32
    return %arg0, %c0_i32 : i32, i32
  }
  func.func @transform_5(%arg0: i32) -> (i32, i32) {
    %c0_i32 = arith.constant 0 : i32
    %c0_i32_0 = arith.constant 0 : i32
    return %arg0, %c0_i32 : i32, i32
  }
  func.func @transform_6(%arg0: i32) -> (i32, i32) {
    %c0_i32 = arith.constant 0 : i32
    %c0_i32_0 = arith.constant 0 : i32
    %c0_i32_1 = arith.constant 0 : i32
    return %c0_i32, %c0_i32_0 : i32, i32
  }
  func.func @transform_7(%arg0: i32) -> (i32, i32) {
    %c0_i32 = arith.constant 0 : i32
    %c0_i32_0 = arith.constant 0 : i32
    %c0_i32_1 = arith.constant 0 : i32
    return %c0_i32, %c0_i32_0 : i32, i32
  }
  func.func @transform_8(%arg0: i32) -> (i32, i32) {
    %c0_i32 = arith.constant 0 : i32
    %c0_i32_0 = arith.constant 0 : i32
    return %arg0, %c0_i32 : i32, i32
  }
}

</mosaic_0001>

<sc_bundles>
// kernel: kernel.5.cloned.1.call-start
scs
__scs_entry_jumppad:
0x0: {  	(pc) =	sbr.rel $0x88, $3  }
0x1: {  	(tag) =	ssettag $0x0;
	lr =	simm.s32 $0x1  }
0x2: {  	[smem:$0x3F99] =	sst lr;
	_ =	strace $0xD0000000  }
0x3: {  	_ = 	snop  }
0x4: {  	_ = 	snop  }
0x5: {  	_ = 	snop  }
0x6: {  	_ = 	snop  }
0x7: {  	_ = 	snop  }
__scs_overlays_trampoline_lowered:
0x8: {  	[smem:$0x3FA8] =	sst s0  }
0x9: {  	[smem:$0x3FA9] =	sst s1  }
0xa: {  	[smem:$0x3FAA] =	sst s2  }
0xb: {  	[smem:$0x3FAB] =	sst s3  }
0xc: {  	[smem:$0x3FAC] =	sst s4  }
0xd: {  	[smem:$0x3FAD] =	sst s5  }
0xe: {  	[smem:$0x3FAE] =	sst s6  }
0xf: {  	[smem:$0x3FAF] =	sst s7  }
0x10: {  	[smem:$0x3FB0] =	sst s8  }
0x11: {  	[smem:$0x3FB1] =	sst s9;
	s0 =	simm.s32 @!p0 $0x0  }
0x12: {  	s1 =	sld [smem:$0x3F97];
	s0 =	simm.s32 @p0 $0x1  }
0x13: {  	[smem:$0x3FB2] =	sst s0;
	s0 =	simm.s32 @!p1 $0x0  }
0x14: {  	s2 =	sld [smem:$0x3F96];
	s0 =	simm.s32 @p1 $0x1  }
0x15: {  	[smem:$0x3FB3] =	sst s0;
	s0 =	simm.s32 @!p2 $0x0  }
0x16: {  	s3 =	sld [smem:$0x3FDB];
	s0 =	simm.s32 @p2 $0x1  }
0x17: {  	s4 =	simm.s32 $0x1BF5;
	[smem:$0x3FB5] =	sst s0  }
0x18: {  	s0 =	sld [smem:$0x3F98];
	_ =	swait.ge [sflag:s4], $0x0  }
0x19: {  	s7 =	sld [smem:$0x3F99]  }
0x1a: {  	s8 =	sadd.s32 $0xFFFFE003, lr  }
0x1b: {  	s9 =	sadd.s32 $0xFFFFFEF7, lr;
	s5 =	simm.s32 $0xFFFFFFFF;
	p2 =	slt.u32 s8, $0xFFFFF086  }
0x1c: {  	p1 =	slt.u32 s9, $0xF7A;
	s5 =	simm.s32 @!p2 $0x0  }
0x1d: {  	s5 =	simm.s32 @p1 $0x1;
	p0 =	seq.s32 s7, s2  }
0x1e: {  	s7 =	smul.u32 @!p0 $0xF7A, s2;
	p2 =	seq.s32 @!p0 s5, $0x0  }
0x1f: {  	s9 =	smul.u32 $0xF7A, s1;
	s8 =	simm.s32 @!p0 $0x1BF5;
	p2 =	por !p2, p0  }
0x20: {  	[sflag:s8] =	ssyncset.s32 @!p0 $0xFFFFF086;
	s6 =	sadd.s32 @!p0 s3, s7;
	s7 =	simm.s32 @!p0 $0x108  }
0x21: {  	s3 =	sadd.s32 s3, s9;
	s6 =	sadd.s32 @!p0 $0x88, s6;
	s7 =	simm.s32 @p2 $0x1082  }
0x22: {  	[simem:s7], [sflag:s8] =	dma.local @!p0 [hbm:s6], $0xF7A  }
0x23: {  	s9 =	sor.u32 $0xD0000000, s2;
	s6 =	simm.s32 $0x108;
	_ =	swait.ge @!p0 [sflag:s8], $0x0  }
0x24: {  	s3 =	sadd.s32 $0x88, s3;
	s6 =	simm.s32 @!p1 $0x1082;
	[sflag:s4] =	ssyncset.s32 $0xFFFFF086  }
0x25: {  	[simem:s6], [sflag:s4] =	dma.local [hbm:s3], $0xF7A  }
0x26: {  	[smem:$0x3F99] =	sst s1;
	(tag) =	ssettag s2;
	_ =	strace s9  }
0x27: {  	s1 =	sld [smem:$0x3FA9]  }
0x28: {  	s2 =	sld [smem:$0x3FAA]  }
0x29: {  	s4 =	sld [smem:$0x3FAC]  }
0x2a: {  	p0 =	seq.s32 s5, $0x0;
	s5 =	sld [smem:$0x3FAD]  }
0x2b: {  	s6 =	sld [smem:$0x3FAE]  }
0x2c: {  	s7 =	sld [smem:$0x3FAF]  }
0x2d: {  	s3 =	simm.s32 $0x108;
	s8 =	sld [smem:$0x3FB0]  }
0x2e: {  	s3 =	simm.s32 @!p0 $0x1082;
	s9 =	sld [smem:$0x3FB1]  }
0x2f: {  	lr =	sadd.s32 s0, s3;
	s0 =	sld [smem:$0x3FA8]  }
0x30: {  	s3 =	sld [smem:$0x3FAB]  }
0x31: {  	[smem:$0x3FB4] =	sst s10  }
0x32: {  	s10 =	sld [smem:$0x3FB2];
	_ =	sdelay $0x3  }
0x33: {  	p0 =	seq.s32 s10, $0x1;
	s10 =	sld [smem:$0x3FB4];
	_ =	sdelay $0x3  }
0x34: {  	[smem:$0x3FB4] =	sst s10  }
0x35: {  	s10 =	sld [smem:$0x3FB3];
	_ =	sdelay $0x3  }
0x36: {  	p1 =	seq.s32 s10, $0x1;
	s10 =	sld [smem:$0x3FB4];
	_ =	sdelay $0x3  }
0x37: {  	[smem:$0x3FB4] =	sst s10  }
0x38: {  	s10 =	sld [smem:$0x3FB5]  }
0x39: {  	_ = 	snop;
	(pc) =	sbr.ind lr, $3  }
0x3a: {  	_ = 	snop  }
0x3b: {  	_ = 	snop  }
0x3c: {  	p2 =	seq.s32 s10, $0x1;
	s10 =	sld [smem:$0x3FB4]  }
0x3d: {  	_ =	shalt  }
0x3e: {  	_ =	shalt  }
0x3f: {  	_ =	shalt  }
0x40: {  	_ =	shalt  }
0x41: {  	_ =	shalt  }
0x42: {  	_ =	shalt  }
0x43: {  	_ =	shalt  }
0x44: {  	_ =	shalt  }
0x45: {  	_ =	shalt  }
0x46: {  	_ =	shalt  }
0x47: {  	_ =	shalt  }
0x48: {  	_ =	shalt  }
0x49: {  	_ =	shalt  }
0x4a: {  	_ =	shalt  }
0x4b: {  	_ =	shalt  }
0x4c: {  	_ =	shalt  }
0x4d: {  	_ =	shalt  }
0x4e: {  	_ =	shalt  }
0x4f: {  	_ =	shalt  }
0x50: {  	_ =	shalt  }
0x51: {  	_ =	shalt  }
0x52: {  	_ =	shalt  }
0x53: {  	_ =	shalt  }
0x54: {  	_ =	shalt  }
0x55: {  	_ =	shalt  }
0x56: {  	_ =	shalt  }
0x57: {  	_ =	shalt  }
0x58: {  	_ =	shalt  }
0x59: {  	_ =	shalt  }
0x5a: {  	_ =	shalt  }
0x5b: {  	_ =	shalt  }
0x5c: {  	_ =	shalt  }
0x5d: {  	_ =	shalt  }
0x5e: {  	_ =	shalt  }
0x5f: {  	_ =	shalt  }
0x60: {  	_ =	shalt  }
0x61: {  	_ =	shalt  }
0x62: {  	_ =	shalt  }
0x63: {  	_ =	shalt  }
0x64: {  	_ =	shalt  }
0x65: {  	_ =	shalt  }
0x66: {  	_ =	shalt  }
0x67: {  	_ =	shalt  }
0x68: {  	_ =	shalt  }
0x69: {  	_ =	shalt  }
0x6a: {  	_ =	shalt  }
0x6b: {  	_ =	shalt  }
0x6c: {  	_ =	shalt  }
0x6d: {  	_ =	shalt  }
0x6e: {  	_ =	shalt  }
0x6f: {  	_ =	shalt  }
0x70: {  	_ =	shalt  }
0x71: {  	_ =	shalt  }
0x72: {  	_ =	shalt  }
0x73: {  	_ =	shalt  }
0x74: {  	_ =	shalt  }
0x75: {  	_ =	shalt  }
0x76: {  	_ =	shalt  }
0x77: {  	_ =	shalt  }
0x78: {  	_ =	shalt  }
0x79: {  	_ =	shalt  }
0x7a: {  	_ =	shalt  }
0x7b: {  	_ =	shalt  }
0x7c: {  	_ =	shalt  }
0x7d: {  	_ =	shalt  }
0x7e: {  	_ =	shalt  }
0x7f: {  	_ =	shalt  }
0x80: {  	_ =	shalt  }
0x81: {  	_ =	shalt  }
0x82: {  	_ =	shalt  }
0x83: {  	_ =	shalt  }
0x84: {  	_ =	shalt  }
0x85: {  	_ =	shalt  }
0x86: {  	_ =	shalt  }
0x87: {  	_ =	shalt  }
.Lfunc_end0:
.L_simem_size_0:
called_computation_lowered:
.L_overlay_start_0:
0x88: {  	s2 =	sld [smem:$0x3FD9]  }
0x89: {  	s3 =	sld [smem:$0x3FFE];
	_ =	sdelay $0x1  }
0x8a: {  	s1 =	srdreg.scid  }
0x8b: {  	s0 =	sand.u32 $0x1, s1  }
0x8c: {  	s17 =	sshll.u32 s0, $0xA;
	s2 =	sadd.s32 s3, s2  }
0x8d: {  	s2 =	sadd.s32 s2, s17  }
0x8e: {  	[smem:$0x3FC0] =	sst s2  }
0x8f: {  	_ = 	snop  }
0x90: {  	s2 =	sld [smem:$0x3FD0];
	(tm) =	ssettm $0x1  }
0x91: {  	s18 =	sld [smem:$0x3FFB];
	_ =	sdelay $0x3  }
0x92: {  	_ =	strace s18  }
0x93: {  	s3 =	sld [smem:$0x3FFC];
	_ =	sdelay $0x3  }
0x94: {  	_ =	strace s3  }
0x95: {  	s3 =	sld [smem:$0x3FFD];
	_ =	sdelay $0x3  }
0x96: {  	_ =	strace s3  }
0x97: {  	_ =	strace $0x8FFFFFFF  }
0x98: {  	s19 =	sld [smem:$0x3FDB];
	_ =	sdelay $0x1  }
0x99: {  	s4 =	simm.s32 $_scs_section_size  }
0x9a: {  	s5 =	simm.s32 $_size__tile_overlayer_lowered;
	s6 =	simm.s32 $_tile_overlayer_lowered  }
0x9b: {  	s22 =	simm.s32 $0x1BFF;
	s21 =	sshll.u32 s6, $0x1;
	s3 =	sadd.s32 s4, s19  }
0x9c: {  	s7 =	simm.s32 $0x0;
	s20 =	sshll.u32 s5, $0x1;
	s5 =	sadd.s32 s21, s3  }
0x9d: {  	[timem:s7], [sflag:s22] =	dma.local [hbm:s5], s20  }
0x9e: {  	_ =	swait.ge [sflag:s22], s20  }
0x9f: {  	s4 =	ssub.s32 $0x0, s20;
	[sflag:s22] =	ssyncset.done $0x0  }
0xa0: {  	[sflag:s22] =	ssyncadd.s32 s4;
	_ =	sdelay $0x1  }
0xa1: {  	s23 =	simm.s32 $0x1B8B  }
0xa2: {  	_ =	swait.ge [sflag:s23], $0x1  }
0xa3: {  	[sflag:s23] =	ssyncset.done $0x0  }
0xa4: {  	s25 =	simm.s32 $0x1B8E;
	s24 =	sld [smem:$0x3FFE];
	[sflag:s23] =	ssyncadd.s32 $0xFFFFFFFF  }
0xa5: {  	s26 =	simm.s32 $execute0_lowered;
	[smem:$0x3FD2] =	sst s25  }
0xa6: {  	s5 =	sshll.u32 s26, $0x1;
	_ =	strace $0x80000046;
	[dreg:$0x1] =	wrdreg $0xFFFFFFFF  }
0xa7: {  	s28 =	simm.s32 $_size_execute0_lowered;
	s3 =	sadd.s32 s3, s5;
	[dreg:$0x0] =	wrdreg $0x0  }
0xa8: {  	s5 =	sshll.u32 s28, $0x1;
	[dreg:$0x2] =	wrdreg s3  }
0xa9: {  	[dreg:$0x3] =	wrdreg s5  }
0xaa: {  	[dreg:$0x4] =	wrdreg $0xC0  }
0xab: {  	_ =	task [dreg:s7], $0x5FFFF  }
0xac: {  	[dreg:$0x1] =	wrdreg $0xFFFFFFFF  }
0xad: {  	[dreg:$0x0] =	wrdreg $0x60  }
0xae: {  	[dreg:$0x2] =	wrdreg s2  }
0xaf: {  	[dreg:$0x3] =	wrdreg s24  }
0xb0: {  	[dreg:$0x4] =	wrdreg $0x0  }
0xb1: {  	[dreg:$0x5] =	wrdreg $0x140000  }
0xb2: {  	[dreg:$0x6] =	wrdreg $0x9  }
0xb3: {  	_ =	task.clear_ibuf [dreg:s7], $0x7FFFF;
	_ =	strace $0x90000046  }
0xb4: {  	s29 =	simm.s32 $0x9;
	_ =	strace $0x80000048  }
0xb5: {  	_ =	swait.ge [sflag:s29], $0x1  }
0xb6: {  	[sflag:s29] =	ssyncadd.s32 $0xFFFFFFFF  }
0xb7: {  	_ =	strace $0x90000048  }
0xb8: {  	_ =	sfence  }
0xb9: {  	s30 =	sld [smem:$0x0];
	_ =	sdelay $0x2  }
0xba: {  	s31 =	sshll.u32 s1, $0xD;
	s1 =	sshrl.u32 s1, $0x2  }
0xbb: {  	s3 =	sand.u32 $0x4000, s31;
	s1 =	sadd.s32 s1, s30  }
0xbc: {  	s0 =	sor.u32 s3, s0;
	s1 =	sshll.u32 s1, $0x11  }
0xbd: {  	s0 =	sor.u32 s1, s0  }
0xbe: {  	s0 =	sadd.s32 $0x8F2B, s0  }
0xbf: {  	[sflag:s0] =	ssyncadd.remote.s32 $0x1  }
0xc0: {  	_ =	sfence.sel $0xFFFF  }
0xc1: {  	[dreg:$0x0] =	wrdreg $0xFFFFFFFF;
	(pc) =	sbr.abs _section_cstart, $3  }
0xc2: {  	[dreg:$0x1] =	wrdreg $0xFFFFFFFF  }
0xc3: {  	_ =	task.clear_ibuf [dreg:s7], $0x2FFFF;
	_ =	strace $0x9FFFFFFF  }
0xc4: {  	(tm) =	ssettm $0x7FFFFFFF  }
0xc5: {  	_ =	shalt  }
tec
execute0_lowered:
.L_overlay_start_1:
0x0: {  	(tag) =	ssettag $0x1  }
0x1: {  	s1 =	rddreg [dreg:$0x0]  }
0x2: {  	s7 =	rddreg [dreg:$0x1]  }
0x3: {  	s2 =	rddreg [dreg:$0x2]  }
0x4: {  	s3 =	rddreg [dreg:$0x3]  }
0x5: {  	s0 =	rddreg [dreg:$0x4];
	s4 =	simm.s32 $0x0  }
0x6: {  	s20 =	stileid.u32;
	s5 =	srdreg.scid;
	s18 =	simm.s32 $0x2  }
0x7: {  	[smem:$0x7FF] =	sst s4;
	s10 =	sshll.u32 s20, $0x6;
	s6 =	smul.u32 $0x2800, s20  }
0x8: {  	s11 =	sand.u32 $0x1, s5;
	s5 =	sadd.s32 $0x1F800, s7;
	s9 =	smul.u32 $0x50000, s20  }
0x9: {  	p1 =	sne.s32 s20, $0x0;
	p2 =	seq.s32 s20, $0x0;
	_ =	strace $0x80000047  }
0xa: {  	s13 =	sadd.s32 s10, s7;
	s8 =	ssub.s32 $0x2, s11;
	s10 =	sor.u32 $0x1C02, s10  }
0xb: {  	p0 =	seq.s32 s11, $0x1;
	s15 =	sshll.u32 s11, $0x5;
	s19 =	sshrl.u32 @!p1 s3, $0x3  }
0xc: {  	s12 =	sadd.s32 s6, s7;
	s6 =	sadd.s32 $0x97E00, s7;
	s14 =	sshrl.u32 s8, $0x1  }
.Ltmp0:
0xd: {  	s7 =	sadd.s32 $0x98400, s7;
	s9 =	sshrl.u32 s9, $0x2;
	(pc) =	sbr.rel .LBB2_1-.Ltmp0, $4  }
0xe: {  	s16 =	sadd.s32 s15, s13;
	s14 =	ssub.s32 s8, s14;
	s8 =	sshll.u32 s20, $0x1  }
0xf: {  	s17 =	sadd.s32 s9, s2;
	s9 =	sadd.s32 $0x1FE00, s12;
	s11 =	sadd.s32 $0x47E00, s12  }
0x10: {  	s12 =	sadd.s32 $0x6FE00, s12;
	s15 =	sadd.s32 $0xBC00, s16;
	s13 =	smax.u32 s14, $0x1  }
0x11: {  	s14 =	sadd.s32 $0x1E00, s16;
	s16 =	sadd.s32 $0x15A00, s16;
	s17 =	sshrl.u32 s17, $0x3  }
.LBB2_6:
0x12: {  	s21 =	sshrl.u32 s3, $0x3  }
0x13: {  	[hbm:s20], [sflag:s10] =	dma.local [spmem:s21], $0x500  }
0x14: {  	_ =	swait.ge [sflag:s18], $0x500  }
0x15: {  	[sflag:s18] =	ssyncset.done $0x0  }
0x16: {  	[sflag:s18] =	ssyncadd.s32 $0xFFFFFB00  }
.LBB2_7:
0x17: {  	s4 =	sadd.s32 $0x1, s4  }
0x18: {  	p3 =	sne.s32 s4, s13  }
.Ltmp1:
0x19: {  	_ = 	snop;
	(pc) =	sbr.rel @!p3 .LBB2_8-.Ltmp1, $1  }
0x1a: {  	_ =	sdelay $0x3  }
.LBB2_1:
0x1b: {  	[spmem:s17], [sflag:s10] =	dma.local [hbm:s9], $0x2800  }
0x1c: {  	_ =	swait.ge [sflag:s18], $0x2800  }
0x1d: {  	[sflag:s18] =	ssyncset.done $0x0  }
0x1e: {  	s20 =	simm.s32 @!p1 $0x2;
	[sflag:s18] =	ssyncadd.s32 $0xFFFFD800  }
0x1f: {  	[spmem:s19], [sflag:s10] =	dma.local @!p1 [hbm:s5], $0x500  }
0x20: {  	_ =	swait.ge @!p1 [sflag:s20], $0x500  }
0x21: {  	p3 =	sgt.u32 s8, $0x4E1;
	[sflag:s20] =	ssyncset.done @!p1 $0x0  }
0x22: {  	s21 =	simm.s32 @!p3 $0x0;
	s22 =	simm.s32 @!p3 $0x1C280;
	[sflag:s20] =	ssyncadd.s32 @!p1 $0xFFFFFB00  }
0x23: {  	s23 =	simm.s32 @!p3 $0x3;
	s20 =	sadd.s32 @!p3 $0x0, s16;
	[bflag:$0x0] =	sbarrier.arrive $0xFFFF  }
0x24: {  	[tilespmem:s22], [sflag:$0x3] =	stream.linear.gather @!p3 [hbm4b:s20+s21], $0x100, $0x38;
	[tilespmem:$0x1C580] =	vst v63  }
0x25: {  	_ =	swait.ge @!p3 [sflag:s23], $0x100  }
0x26: {  	s24 =	simm.s32 @!p3 $0x1C380;
	[sflag:s23] =	ssyncset.done @!p3 $0x0  }
0x27: {  	s20 =	sadd.s32 @!p3 $0x0, s15;
	[sflag:s23] =	ssyncadd.s32 @!p3 $0xFFFFFF00;
	p3 =	por p3, p3  }
0x28: {  	[tilespmem:s24], [sflag:$0x3] =	stream.linear.gather @!p3 [hbm4b:s20+s21], $0x100, $0x38;
	[tilespmem:$0x1C580] =	vst v63  }
0x29: {  	_ =	swait.ge @!p3 [sflag:s23], $0x100  }
0x2a: {  	[sflag:s23] =	ssyncset.done @!p3 $0x0  }
0x2b: {  	s20 =	sadd.s32 @!p3 $0x0, s14;
	s25 =	simm.s32 @!p3 $0x1C480;
	[sflag:s23] =	ssyncadd.s32 @!p3 $0xFFFFFF00  }
0x2c: {  	[tilespmem:s25], [sflag:$0x3] =	stream.linear.gather @!p3 [hbm4b:s20+s21], $0x100, $0x38;
	[tilespmem:$0x1C580] =	vst v63  }
0x2d: {  	_ =	swait.ge @!p3 [sflag:s23], $0x100  }
0x2e: {  	[sflag:s23] =	ssyncset.done @!p3 $0x0  }
0x2f: {  	s20 =	simm.s32 @!p3 $0x80;
	s21 =	simm.s32 @!p3 $0x14280;
	[sflag:s23] =	ssyncadd.s32 @!p3 $0xFFFFFF00  }
0x30: {  	[tilespmem:s21], [sflag:$0x1] =	stream.indirect.gather @!p3 [hbm4b:s1+s20], $0x80, s22, s20, $0xb8;
	[tilespmem:$0x1C580] =	vst v63  }
0x31: {  	s26 =	simm.s32 @!p3 $0x18280;
	s28 =	simm.s32 @!p3 $0x1;
	s22 =	simm.s32 @!p3 $0x1C300  }
0x32: {  	[tilespmem:s26], [sflag:$0x1] =	stream.indirect.gather @!p3 [hbm4b:s1+s20], $0x80, s22, s20, $0xb8;
	[tilespmem:$0x1C580] =	vst v63  }
0x33: {  	_ =	swait.ge @!p3 [sflag:s28], $0x4000  }
0x34: {  	[sflag:s28] =	ssyncset.done @!p3 $0x0  }
0x35: {  	[sflag:s28] =	ssyncadd.s32 @!p3 $0xFFFFC000  }
0x36: {  	_ =	swait.ge @!p3 [sflag:s28], $0x4000  }
0x37: {  	[sflag:s28] =	ssyncset.done @!p3 $0x0  }
0x38: {  	[sflag:s28] =	ssyncadd.s32 @!p3 $0xFFFFC000  }
0x39: {  	[spmem:s2] =	stream.indirect.scatter.add.f32 @!p3 [tilespmem:s21], [sflag:$0x3], $0x80, s24, s20, $0xb8;
	[tilespmem:$0x1C580] =	vst v63  }
0x3a: {  	_ =	swait.ge @!p3 [sflag:s23], $0x4000  }
0x3b: {  	[sflag:s23] =	ssyncset.done @!p3 $0x0  }
0x3c: {  	[sflag:s23] =	ssyncadd.s32 @!p3 $0xFFFFC000  }
0x3d: {  	[spmem:s3] =	stream.indirect.scatter.add.f32 @!p3 [tilespmem:s25], [sflag:$0x3], $0x1, s24, s20, $0xb8;
	[tilespmem:$0x1C580] =	vst v63  }
0x3e: {  	_ =	swait.ge @!p3 [sflag:s23], $0x80  }
0x3f: {  	[sflag:s23] =	ssyncset.done @!p3 $0x0  }
0x40: {  	s21 =	simm.s32 @!p3 $0x1C400;
	[sflag:s23] =	ssyncadd.s32 @!p3 $0xFFFFFF80  }
0x41: {  	[spmem:s2] =	stream.indirect.scatter.add.f32 @!p3 [tilespmem:s26], [sflag:$0x3], $0x80, s21, s20, $0xb8;
	[tilespmem:$0x1C580] =	vst v63  }
0x42: {  	_ =	swait.ge @!p3 [sflag:s23], $0x4000  }
0x43: {  	[sflag:s23] =	ssyncset.done @!p3 $0x0  }
0x44: {  	s22 =	simm.s32 @!p3 $0x1C500;
	[sflag:s23] =	ssyncadd.s32 @!p3 $0xFFFFC000  }
0x45: {  	[spmem:s3] =	stream.indirect.scatter.add.f32 @!p3 [tilespmem:s22], [sflag:$0x2], $0x1, s21, s20, $0xb8;
	[tilespmem:$0x1C580] =	vst v63  }
0x46: {  	s24 =	simm.s32 @!p3 $0x2;
	s20 =	simm.s32 $0x400;
	s21 =	sadd.s32 $0x20, s8  }
0x47: {  	s22 =	simm.s32 $0x800;
	p5 =	sgt.u32 s21, $0x4E1;
	_ =	swait.ge @!p3 [sflag:s24], $0x80  }
.LBB2_2:
0x48: {  	s25 =	sadd.s32 @!p5 s20, s16;
	s26 =	simm.s32 @!p5 $0x0;
	[sflag:s24] =	ssyncset.done @!p3 $0x0  }
0x49: {  	s28 =	simm.s32 @!p5 $0x1C280;
	s23 =	simm.s32 @!p5 $0x3;
	[sflag:s24] =	ssyncadd.s32 @!p3 $0xFFFFFF80  }
0x4a: {  	[tilespmem:s28], [sflag:$0x3] =	stream.linear.gather @!p5 [hbm4b:s25+s26], $0x100, $0x38;
	[tilespmem:$0x1C580] =	vst v63  }
0x4b: {  	s24 =	smov.u32 s22;
	s22 =	sadd.s32 $0x400, s22;
	_ =	swait.ge @!p5 [sflag:s23], $0x100  }
0x4c: {  	s29 =	simm.s32 @!p5 $0x1C380;
	s25 =	sadd.s32 @!p5 s20, s15;
	[sflag:s23] =	ssyncset.done @!p5 $0x0  }
0x4d: {  	p3 =	por p5, p5;
	p4 =	sne.s32 s22, $0xA000;
	[sflag:s23] =	ssyncadd.s32 @!p5 $0xFFFFFF00  }
0x4e: {  	[tilespmem:s29], [sflag:$0x3] =	stream.linear.gather @!p3 [hbm4b:s25+s26], $0x100, $0x38;
	[tilespmem:$0x1C580] =	vst v63  }
0x4f: {  	_ =	swait.ge @!p3 [sflag:s23], $0x100  }
0x50: {  	s30 =	simm.s32 @!p3 $0x1C480;
	s25 =	sadd.s32 @!p3 s20, s14;
	[sflag:s23] =	ssyncset.done @!p3 $0x0  }
0x51: {  	s20 =	smov.u32 s24;
	[sflag:s23] =	ssyncadd.s32 @!p3 $0xFFFFFF00  }
0x52: {  	[tilespmem:s30], [sflag:$0x3] =	stream.linear.gather @!p3 [hbm4b:s25+s26], $0x100, $0x38;
	[tilespmem:$0x1C580] =	vst v63  }
0x53: {  	_ =	swait.ge @!p3 [sflag:s23], $0x100  }
0x54: {  	s24 =	simm.s32 @!p3 $0x14280;
	s25 =	simm.s32 @!p3 $0x80;
	[sflag:s23] =	ssyncset.done @!p3 $0x0  }
0x55: {  	s31 =	simm.s32 @!p3 $0x18280;
	s26 =	simm.s32 @!p3 $0x1C300;
	[sflag:s23] =	ssyncadd.s32 @!p3 $0xFFFFFF00  }
0x56: {  	[tilespmem:s24], [sflag:$0x1] =	stream.indirect.gather @!p3 [hbm4b:s1+s25], $0x80, s28, s25, $0xb8;
	[tilespmem:$0x1C580] =	vst v63  }
0x57: {  	s28 =	simm.s32 @!p3 $0x1  }
0x58: {  	[tilespmem:s31], [sflag:$0x1] =	stream.indirect.gather @!p3 [hbm4b:s1+s25], $0x80, s26, s25, $0xb8;
	[tilespmem:$0x1C580] =	vst v63  }
0x59: {  	_ =	swait.ge @!p3 [sflag:s28], $0x4000  }
0x5a: {  	[sflag:s28] =	ssyncset.done @!p3 $0x0  }
0x5b: {  	[sflag:s28] =	ssyncadd.s32 @!p3 $0xFFFFC000  }
0x5c: {  	_ =	swait.ge @!p3 [sflag:s28], $0x4000  }
0x5d: {  	[sflag:s28] =	ssyncset.done @!p3 $0x0  }
0x5e: {  	[sflag:s28] =	ssyncadd.s32 @!p3 $0xFFFFC000  }
0x5f: {  	[spmem:s2] =	stream.indirect.scatter.add.f32 @!p3 [tilespmem:s24], [sflag:$0x3], $0x80, s29, s25, $0xb8;
	[tilespmem:$0x1C580] =	vst v63  }
0x60: {  	_ =	swait.ge @!p3 [sflag:s23], $0x4000  }
0x61: {  	[sflag:s23] =	ssyncset.done @!p3 $0x0  }
0x62: {  	[sflag:s23] =	ssyncadd.s32 @!p3 $0xFFFFC000  }
0x63: {  	[spmem:s3] =	stream.indirect.scatter.add.f32 @!p3 [tilespmem:s30], [sflag:$0x3], $0x1, s29, s25, $0xb8;
	[tilespmem:$0x1C580] =	vst v63  }
0x64: {  	_ =	swait.ge @!p3 [sflag:s23], $0x80  }
0x65: {  	s26 =	simm.s32 @!p3 $0x1C400;
	[sflag:s23] =	ssyncset.done @!p3 $0x0  }
0x66: {  	[sflag:s23] =	ssyncadd.s32 @!p3 $0xFFFFFF80  }
0x67: {  	[spmem:s2] =	stream.indirect.scatter.add.f32 @!p3 [tilespmem:s31], [sflag:$0x3], $0x80, s26, s25, $0xb8;
	[tilespmem:$0x1C580] =	vst v63  }
.Ltmp2:
0x68: {  	_ =	swait.ge @!p3 [sflag:s23], $0x4000;
	(pc) =	sbr.rel @p4 .LBB2_2-.Ltmp2, $4  }
0x69: {  	s28 =	simm.s32 @!p3 $0x1C500;
	[sflag:s23] =	ssyncset.done @!p3 $0x0  }
0x6a: {  	s21 =	sadd.s32 $0x20, s21;
	s24 =	simm.s32 @!p3 $0x2;
	[sflag:s23] =	ssyncadd.s32 @!p3 $0xFFFFC000  }
0x6b: {  	[spmem:s3] =	stream.indirect.scatter.add.f32 @!p3 [tilespmem:s28], [sflag:$0x2], $0x1, s26, s25, $0xb8;
	[tilespmem:$0x1C580] =	vst v63  }
0x6c: {  	p5 =	sgt.u32 s21, $0x4E1;
	_ =	swait.ge @!p3 [sflag:s24], $0x80  }
0x6d: {  	s21 =	sadd.s32 @!p5 s20, s16;
	s22 =	simm.s32 @!p5 $0x0;
	[sflag:s24] =	ssyncset.done @!p3 $0x0  }
0x6e: {  	s23 =	simm.s32 @!p5 $0x1C280;
	s25 =	simm.s32 @!p5 $0x3;
	[sflag:s24] =	ssyncadd.s32 @!p3 $0xFFFFFF80  }
0x6f: {  	[tilespmem:s23], [sflag:$0x3] =	stream.linear.gather @!p5 [hbm4b:s21+s22], $0x100, $0x38;
	[tilespmem:$0x1C580] =	vst v63  }
0x70: {  	_ =	swait.ge @!p5 [sflag:s25], $0x100  }
0x71: {  	s24 =	simm.s32 @!p5 $0x1C380;
	[sflag:s25] =	ssyncset.done @!p5 $0x0  }
0x72: {  	p3 =	por p5, p5;
	s21 =	sadd.s32 @!p5 s20, s15;
	[sflag:s25] =	ssyncadd.s32 @!p5 $0xFFFFFF00  }
0x73: {  	[tilespmem:s24], [sflag:$0x3] =	stream.linear.gather @!p3 [hbm4b:s21+s22], $0x100, $0x38;
	[tilespmem:$0x1C580] =	vst v63  }
0x74: {  	_ =	swait.ge @!p3 [sflag:s25], $0x100  }
0x75: {  	[sflag:s25] =	ssyncset.done @!p3 $0x0  }
0x76: {  	s20 =	sadd.s32 @!p3 s20, s14;
	s21 =	simm.s32 @!p3 $0x1C480;
	[sflag:s25] =	ssyncadd.s32 @!p3 $0xFFFFFF00  }
0x77: {  	[tilespmem:s21], [sflag:$0x3] =	stream.linear.gather @!p3 [hbm4b:s20+s22], $0x100, $0x38;
	[tilespmem:$0x1C580] =	vst v63  }
0x78: {  	_ =	swait.ge @!p3 [sflag:s25], $0x100  }
0x79: {  	[sflag:s25] =	ssyncset.done @!p3 $0x0  }
0x7a: {  	s20 =	simm.s32 @!p3 $0x80;
	s22 =	simm.s32 @!p3 $0x14280;
	[sflag:s25] =	ssyncadd.s32 @!p3 $0xFFFFFF00  }
0x7b: {  	[tilespmem:s22], [sflag:$0x1] =	stream.indirect.gather @!p3 [hbm4b:s1+s20], $0x80, s23, s20, $0xb8;
	[tilespmem:$0x1C580] =	vst v63  }
0x7c: {  	s26 =	simm.s32 @!p3 $0x18280;
	s28 =	simm.s32 @!p3 $0x1;
	s23 =	simm.s32 @!p3 $0x1C300  }
0x7d: {  	[tilespmem:s26], [sflag:$0x1] =	stream.indirect.gather @!p3 [hbm4b:s1+s20], $0x80, s23, s20, $0xb8;
	[tilespmem:$0x1C580] =	vst v63  }
0x7e: {  	_ =	swait.ge @!p3 [sflag:s28], $0x4000  }
0x7f: {  	[sflag:s28] =	ssyncset.done @!p3 $0x0  }
0x80: {  	[sflag:s28] =	ssyncadd.s32 @!p3 $0xFFFFC000  }
0x81: {  	_ =	swait.ge @!p3 [sflag:s28], $0x4000  }
0x82: {  	[sflag:s28] =	ssyncset.done @!p3 $0x0  }
0x83: {  	[sflag:s28] =	ssyncadd.s32 @!p3 $0xFFFFC000  }
0x84: {  	[spmem:s2] =	stream.indirect.scatter.add.f32 @!p3 [tilespmem:s22], [sflag:$0x3], $0x80, s24, s20, $0xb8;
	[tilespmem:$0x1C580] =	vst v63  }
0x85: {  	_ =	swait.ge @!p3 [sflag:s25], $0x4000  }
0x86: {  	[sflag:s25] =	ssyncset.done @!p3 $0x0  }
0x87: {  	[sflag:s25] =	ssyncadd.s32 @!p3 $0xFFFFC000  }
0x88: {  	[spmem:s3] =	stream.indirect.scatter.add.f32 @!p3 [tilespmem:s21], [sflag:$0x3], $0x1, s24, s20, $0xb8;
	[tilespmem:$0x1C580] =	vst v63  }
0x89: {  	_ =	swait.ge @!p3 [sflag:s25], $0x80  }
0x8a: {  	[sflag:s25] =	ssyncset.done @!p3 $0x0  }
0x8b: {  	s21 =	simm.s32 @!p3 $0x1C400;
	[sflag:s25] =	ssyncadd.s32 @!p3 $0xFFFFFF80  }
0x8c: {  	[spmem:s2] =	stream.indirect.scatter.add.f32 @!p3 [tilespmem:s26], [sflag:$0x3], $0x80, s21, s20, $0xb8;
	[tilespmem:$0x1C580] =	vst v63  }
0x8d: {  	_ =	swait.ge @!p3 [sflag:s25], $0x4000  }
0x8e: {  	[sflag:s25] =	ssyncset.done @!p3 $0x0  }
0x8f: {  	s23 =	simm.s32 @!p3 $0x2;
	s22 =	simm.s32 @!p3 $0x1C500;
	[sflag:s25] =	ssyncadd.s32 @!p3 $0xFFFFC000  }
0x90: {  	[spmem:s3] =	stream.indirect.scatter.add.f32 @!p3 [tilespmem:s22], [sflag:$0x2], $0x1, s21, s20, $0xb8;
	[tilespmem:$0x1C580] =	vst v63  }
.Ltmp3:
0x91: {  	_ =	swait.ge @!p3 [sflag:s23], $0x80;
	(pc) =	sbr.rel @!p0 .LBB2_4-.Ltmp3, $3  }
0x92: {  	[sflag:s23] =	ssyncset.done @!p3 $0x0  }
0x93: {  	[sflag:s23] =	ssyncadd.s32 @!p3 $0xFFFFFF80  }
0x94: {  	[bflag:$0x0] =	sbarrier.arrive $0xFFFF;
	_ =	sdelay $0x1  }
0x95: {  	[hbm:s12], [sflag:s10] =	dma.local [spmem:s17], $0x2800  }
.Ltmp4:
0x96: {  	_ = 	snop;
	(pc) =	sbr.rel @p1 .LBB2_7-.Ltmp4, $4  }
.Ltmp5:
0x97: {  	_ = 	snop;
	(pc) =	sbr.rel @!p1 .LBB2_6-.Ltmp5, $4  }
0x98: {  	_ =	swait.ge [sflag:s18], $0x2800  }
0x99: {  	[sflag:s18] =	ssyncset.done $0x0  }
0x9a: {  	s20 =	smov.u32 s7;
	[sflag:s18] =	ssyncadd.s32 $0xFFFFD800  }
0x9b: {  	_ = 	snop  }
.LBB2_4:
0x9c: {  	[hbm:s11], [sflag:s10] =	dma.local [spmem:s17], $0x2800  }
.Ltmp6:
0x9d: {  	_ = 	snop;
	(pc) =	sbr.rel @!p2 .LBB2_7-.Ltmp6, $4  }
.Ltmp7:
0x9e: {  	_ = 	snop;
	(pc) =	sbr.rel @p2 .LBB2_6-.Ltmp7, $4  }
0x9f: {  	_ =	swait.ge [sflag:s18], $0x2800  }
0xa0: {  	[sflag:s18] =	ssyncset.done $0x0  }
0xa1: {  	s20 =	smov.u32 s6;
	[sflag:s18] =	ssyncadd.s32 $0xFFFFD800  }
0xa2: {  	_ = 	snop  }
.LBB2_8:
0xa3: {  	_ =	sfence.sel $0x180000  }
0xa4: {  	[bflag:$0x0] =	sbarrier.arrive $0xFFFF  }
0xa5: {  	_ =	strace $0x90000047  }
0xa6: {  	s0 =	sadd.s32 @!p1 $0x100000, s0;
	[bflag:$0x2] =	sbarrier.arrive $0xFFFF  }
0xa7: {  	[sflag:s0] =	ssyncadd.tile.s32 @!p1 $0x1;
	_ =	shalt  }
.Lfunc_end2:
_tile_overlayer_lowered:
.L_overlay_start_2:
0xa8: {  	(tag) =	ssettag $0x2  }
0xa9: {  	s0 =	rddreg [dreg:$0x0];
	s2 =	stileid.u32  }
0xaa: {  	s1 =	rddreg [dreg:$0x1];
	p0 =	sne.s32 s2, $0x0  }
0xab: {  	s3 =	rddreg [dreg:$0x2];
	[bflag:$0x3] =	sbarrier.arrive $0xFFFF;
	s2 =	simm.s32 @!p0 $0x1C02  }
0xac: {  	[timem:s3], [sflag:s2] =	dma.local @!p0 [hbm:s0], s1  }
0xad: {  	s0 =	simm.s32 @!p0 $0x2  }
0xae: {  	_ =	swait.ge @!p0 [sflag:s0], s1  }
0xaf: {  	s1 =	ssub.s32 @!p0 $0x0, s1;
	[sflag:s0] =	ssyncset.done @!p0 $0x0  }
0xb0: {  	[sflag:s0] =	ssyncadd.s32 @!p0 s1  }
0xb1: {  	[bflag:$0x3] =	sbarrier.arrive $0xFFFF  }
0xb2: {  	_ =	shalt  }

</sc_bundles>
